<compile_context>
chip_gen: v7x
topology: tpu7x:2x2x1
jax: 0.10.2.dev20260603
libtpu: 0.0.44.dev20260713+nightly
codegen_flags: <defaults>
</compile_context>

<pallas_src>
import functools

import jax
import jax.numpy as jnp
from jax import lax
from jax.experimental import pallas as pl
from jax.experimental.pallas import tpu as pltpu
from jax.experimental.pallas import tpu_sc as plsc

_N = 10000
_E = 320000
_D = 128
_G = 128
_C = 10

_NC = 2
_NS = 16
_NW = _NC * _NS
_EPT = _E // _NW
_CHUNK = 80
_NCHUNK = _EPT // _CHUNK
_STRIPE = 200
_NSTRIPE = _N // _STRIPE
_NSTRIPE_CEIL = -(-_NSTRIPE // _NS)

_BR = 2000


def _sc_mesh():
    return plsc.VectorSubcoreMesh(core_axis_name="c", subcore_axis_name="s")


def _sc_degree(dst):

    @functools.partial(
        pl.kernel,
        out_type=(jax.ShapeDtypeStruct((_N,), jnp.float32),
                  jax.ShapeDtypeStruct((_N,), jnp.float32)),
        mesh=_sc_mesh(),
        scratch_types=[
            pltpu.VMEM((_CHUNK,), jnp.int32),
            pltpu.VMEM((_CHUNK,), jnp.float32),
            pltpu.VMEM((2000,), jnp.float32),
            pltpu.VMEM_SHARED((_N,), jnp.float32),
        ],
    )
    def k(dst_hbm, degA_hbm, degB_hbm, dst_v, ones_v, stage_v, deg_sh):
        cid = lax.axis_index("c")
        sid = lax.axis_index("s")
        wid = cid * _NS + sid

        def zbody(i, carry):
            stage_v[pl.ds(i * 16, 16)] = jnp.zeros((16,), jnp.float32)
            return carry

        lax.fori_loop(0, 2000 // 16, zbody, 0)

        @pl.when(sid < 5)
        def _zero():
            pltpu.sync_copy(stage_v, deg_sh.at[pl.ds(sid * 2000, 2000)])

        for j in range(_CHUNK // 16):
            ones_v[pl.ds(j * 16, 16)] = jnp.ones((16,), jnp.float32)

        plsc.subcore_barrier()

        base = wid * _EPT

        def body(i, carry):
            off = pl.multiple_of(base + i * _CHUNK, 8)
            pltpu.sync_copy(dst_hbm.at[pl.ds(off, _CHUNK)], dst_v)
            pltpu.sync_copy(ones_v, deg_sh.at[dst_v], add=True)
            return carry

        lax.fori_loop(0, _NCHUNK, body, 0)
        plsc.subcore_barrier()

        @pl.when(sid < 5)
        def _out():
            pltpu.sync_copy(deg_sh.at[pl.ds(sid * 2000, 2000)], stage_v)

            @pl.when(cid == 0)
            def _():
                pltpu.sync_copy(stage_v, degA_hbm.at[pl.ds(sid * 2000, 2000)])

            @pl.when(cid == 1)
            def _():
                pltpu.sync_copy(stage_v, degB_hbm.at[pl.ds(sid * 2000, 2000)])

    return k(dst)


def _sc_scatter(y, src, dst):

    @functools.partial(
        pl.kernel,
        out_type=(jax.ShapeDtypeStruct((_N, _D), jnp.float32),
                  jax.ShapeDtypeStruct((_N, _D), jnp.float32)),
        mesh=_sc_mesh(),
        scratch_types=[
            pltpu.VMEM((_CHUNK,), jnp.int32),
            pltpu.VMEM((_CHUNK,), jnp.int32),
            pltpu.VMEM((_CHUNK, _D), jnp.float32),
            pltpu.VMEM((_STRIPE, _D), jnp.float32),
            pltpu.VMEM_SHARED((_N, _D), jnp.float32),
            pltpu.SemaphoreType.DMA,
        ],
    )
    def k(y_hbm, src_hbm, dst_hbm, accA_hbm, accB_hbm,
          src_v, dst_v, rows_v, stage_v, acc_sh, sem):
        cid = lax.axis_index("c")
        sid = lax.axis_index("s")
        wid = cid * _NS + sid

        def zbody(i, carry):
            def zinner(j, c2):
                stage_v[i, pl.ds(j * 16, 16)] = jnp.zeros((16,), jnp.float32)
                return c2
            return lax.fori_loop(0, _D // 16, zinner, carry)

        lax.fori_loop(0, _STRIPE, zbody, 0)

        for j in range(_NSTRIPE_CEIL):
            st = sid + _NS * j

            @pl.when(st < _NSTRIPE)
            def _():
                row0 = pl.multiple_of(st * _STRIPE, 8)
                pltpu.sync_copy(stage_v, acc_sh.at[pl.ds(row0, _STRIPE)])

        plsc.subcore_barrier()

        base = wid * _EPT

        def body(i, carry):
            off = pl.multiple_of(base + i * _CHUNK, 8)
            pltpu.sync_copy(src_hbm.at[pl.ds(off, _CHUNK)], src_v)
            pltpu.sync_copy(dst_hbm.at[pl.ds(off, _CHUNK)], dst_v)
            pltpu.async_copy(y_hbm.at[src_v], rows_v, sem).wait()
            pltpu.sync_copy(rows_v, acc_sh.at[dst_v], add=True)
            return carry

        lax.fori_loop(0, _NCHUNK, body, 0)
        plsc.subcore_barrier()

        for j in range(_NSTRIPE_CEIL):
            st = sid + _NS * j

            @pl.when(st < _NSTRIPE)
            def _():
                row0 = pl.multiple_of(st * _STRIPE, 8)
                pltpu.sync_copy(acc_sh.at[pl.ds(row0, _STRIPE)], stage_v)

                @pl.when(cid == 0)
                def _():
                    pltpu.sync_copy(stage_v, accA_hbm.at[pl.ds(row0, _STRIPE)])

                @pl.when(cid == 1)
                def _():
                    pltpu.sync_copy(stage_v, accB_hbm.at[pl.ds(row0, _STRIPE)])

    return k(y, src, dst)


def _tc_mm1(x, W1, degA, degB):
    def body(x_ref, w_ref, dA_ref, dB_ref, y_ref):
        dinv = lax.rsqrt(dA_ref[...] + dB_ref[...] + 1.0)
        y_ref[...] = jnp.dot(x_ref[...], w_ref[...],
                             preferred_element_type=jnp.float32) * dinv

    return pl.pallas_call(
        body,
        grid=(_N // _BR,),
        in_specs=[
            pl.BlockSpec((_BR, _D), lambda i: (i, 0)),
            pl.BlockSpec((_D, _D), lambda i: (0, 0)),
            pl.BlockSpec((_BR, 1), lambda i: (i, 0)),
            pl.BlockSpec((_BR, 1), lambda i: (i, 0)),
        ],
        out_specs=pl.BlockSpec((_BR, _D), lambda i: (i, 0)),
        out_shape=jax.ShapeDtypeStruct((_N, _D), jnp.float32),
    )(x, W1, degA, degB)


def _tc_mm2(accA, accB, y1, degA, degB, b1, W2):
    def body(aA_ref, aB_ref, y_ref, dA_ref, dB_ref, b_ref, w_ref, y2_ref):
        dinv = lax.rsqrt(dA_ref[...] + dB_ref[...] + 1.0)
        h = dinv * (aA_ref[...] + aB_ref[...] + y_ref[...]) + b_ref[...]
        h = jnp.maximum(h, 0.0)
        y2_ref[...] = jnp.dot(h, w_ref[...],
                              preferred_element_type=jnp.float32) * dinv

    return pl.pallas_call(
        body,
        grid=(_N // _BR,),
        in_specs=[
            pl.BlockSpec((_BR, _D), lambda i: (i, 0)),
            pl.BlockSpec((_BR, _D), lambda i: (i, 0)),
            pl.BlockSpec((_BR, _D), lambda i: (i, 0)),
            pl.BlockSpec((_BR, 1), lambda i: (i, 0)),
            pl.BlockSpec((_BR, 1), lambda i: (i, 0)),
            pl.BlockSpec((1, _D), lambda i: (0, 0)),
            pl.BlockSpec((_D, _D), lambda i: (0, 0)),
        ],
        out_specs=pl.BlockSpec((_BR, _D), lambda i: (i, 0)),
        out_shape=jax.ShapeDtypeStruct((_N, _D), jnp.float32),
    )(accA, accB, y1, degA, degB, b1, W2)


def _tc_final(accA, accB, y2, degA, degB, b2, batch2d, W_fc, b_fc):
    def body(aA_ref, aB_ref, y_ref, dA_ref, dB_ref, b_ref, bt_ref,
             wfc_ref, bfc_ref, out_ref, gacc, cnt):
        i = pl.program_id(0)
        dinv = lax.rsqrt(dA_ref[...] + dB_ref[...] + 1.0)
        h2 = dinv * (aA_ref[...] + aB_ref[...] + y_ref[...]) + b_ref[...]
        gids = lax.broadcasted_iota(jnp.int32, (_BR, _G), 1)
        oh = (bt_ref[...] == gids).astype(jnp.float32)
        ps = lax.dot_general(oh, h2, (((0,), (0,)), ((), ())),
                             preferred_element_type=jnp.float32)
        pc = lax.dot_general(oh, jnp.ones((_BR, 1), jnp.float32),
                             (((0,), (0,)), ((), ())),
                             preferred_element_type=jnp.float32)

        @pl.when(i == 0)
        def _():
            gacc[...] = ps
            cnt[...] = pc

        @pl.when(i > 0)
        def _():
            gacc[...] += ps
            cnt[...] += pc

        @pl.when(i == pl.num_programs(0) - 1)
        def _():
            g = gacc[...] / jnp.maximum(cnt[...], 1.0)
            out_ref[...] = jnp.dot(g, wfc_ref[...],
                                   preferred_element_type=jnp.float32) + bfc_ref[...]

    return pl.pallas_call(
        body,
        grid=(_N // _BR,),
        in_specs=[
            pl.BlockSpec((_BR, _D), lambda i: (i, 0)),
            pl.BlockSpec((_BR, _D), lambda i: (i, 0)),
            pl.BlockSpec((_BR, _D), lambda i: (i, 0)),
            pl.BlockSpec((_BR, 1), lambda i: (i, 0)),
            pl.BlockSpec((_BR, 1), lambda i: (i, 0)),
            pl.BlockSpec((1, _D), lambda i: (0, 0)),
            pl.BlockSpec((_BR, 1), lambda i: (i, 0)),
            pl.BlockSpec((_D, _C), lambda i: (0, 0)),
            pl.BlockSpec((1, _C), lambda i: (0, 0)),
        ],
        out_specs=pl.BlockSpec((_G, _C), lambda i: (0, 0)),
        out_shape=jax.ShapeDtypeStruct((_G, _C), jnp.float32),
        scratch_shapes=[
            pltpu.VMEM((_G, _D), jnp.float32),
            pltpu.VMEM((_G, 1), jnp.float32),
        ],
    )(accA, accB, y2, degA, degB, b2, batch2d, W_fc, b_fc)


def kernel(x, edge_index, batch, W1, b1, W2, b2, W_fc, b_fc):
    src = edge_index[0].astype(jnp.int32)
    dst = edge_index[1].astype(jnp.int32)

    degA, degB = _sc_degree(dst)
    degA = degA.reshape(_N, 1)
    degB = degB.reshape(_N, 1)

    y1 = _tc_mm1(x, W1, degA, degB)
    a1A, a1B = _sc_scatter(y1, src, dst)
    y2 = _tc_mm2(a1A, a1B, y1, degA, degB, b1.reshape(1, _D), W2)
    a2A, a2B = _sc_scatter(y2, src, dst)
    return _tc_final(a2A, a2B, y2, degA, degB, b2.reshape(1, _D),
                     batch.astype(jnp.int32).reshape(_N, 1),
                     W_fc, b_fc.reshape(1, _C))

# --- scband reference (transcript-rebuilt; emitter-appended) ---
"""Pipeline reference for scband-gcn-6983616824079 (READ-ONLY COPY).

The authoritative reference and input builder live on the scoring server;
editing this copy changes nothing except your own understanding.
"""

import jax, jax.numpy as jnp
import numpy as np

N_NODES = 10000
N_EDGES = 320000
D_IN = 128
D_HID = 128
N_CLASSES = 10
N_GRAPHS = 128


def setup_inputs(seed: int = 0) -> dict:
    key = jax.random.key(seed)
    ks = jax.random.split(key, 10)
    x = jax.random.normal(ks[0], (N_NODES, D_IN), dtype=jnp.float32)
    edge_index = jax.random.randint(ks[1], (2, N_EDGES), 0, N_NODES, dtype=jnp.int64)
    batch = jnp.sort(jax.random.randint(ks[2], (N_NODES,), 0, N_GRAPHS, dtype=jnp.int64))
    W1 = jax.random.normal(ks[3], (D_IN, D_HID), dtype=jnp.float32) * (1.0 / np.sqrt(D_IN))
    b1 = jnp.zeros((D_HID,), dtype=jnp.float32)
    W2 = jax.random.normal(ks[4], (D_HID, D_HID), dtype=jnp.float32) * (1.0 / np.sqrt(D_HID))
    b2 = jnp.zeros((D_HID,), dtype=jnp.float32)
    W_fc = jax.random.normal(ks[5], (D_HID, N_CLASSES), dtype=jnp.float32) * (1.0 / np.sqrt(D_HID))
    b_fc = jnp.zeros((N_CLASSES,), dtype=jnp.float32)
    return {"x": x, "edge_index": edge_index, "batch": batch,
            "W1": W1, "b1": b1, "W2": W2, "b2": b2, "W_fc": W_fc, "b_fc": b_fc}


def _gcn_conv(x, src, dst, W, b):
    # PyG GCNConv: out = D^{-1/2} (A + I) D^{-1/2} X W + b  (self-loops added)
    n = x.shape[0]
    loop = jnp.arange(n, dtype=src.dtype)
    s = jnp.concatenate([src, loop])
    d = jnp.concatenate([dst, loop])
    xw = x @ W
    deg = jax.ops.segment_sum(jnp.ones_like(d, dtype=xw.dtype), d, num_segments=n)
    dinv = jnp.where(deg > 0, jax.lax.rsqrt(deg), 0.0)
    norm = dinv[s] * dinv[d]
    msg = xw[s] * norm[:, None]
    out = jax.ops.segment_sum(msg, d, num_segments=n)
    return out + b


def _global_mean_pool(x, batch, num_graphs):
    sums = jax.ops.segment_sum(x, batch, num_segments=num_graphs)
    cnt = jax.ops.segment_sum(jnp.ones((x.shape[0],), dtype=x.dtype), batch, num_segments=num_graphs)
    return sums / jnp.clip(cnt, 1.0)[:, None]


def reference(x, edge_index, batch, W1, b1, W2, b2, W_fc, b_fc):
    src, dst = edge_index[0], edge_index[1]
    h = _gcn_conv(x, src, dst, W1, b1)
    h = jax.nn.relu(h)
    h = _gcn_conv(h, src, dst, W2, b2)
    g = _global_mean_pool(h, batch, N_GRAPHS)
    return g @ W_fc + b_fc

if __name__ == "__main__":
    import jax
    _d = setup_inputs()
    print(jax.jit(kernel)(*tuple(_d.values())))

</pallas_src>

<mosaic_0001>
#map = affine_map<(d0, d1) -> (0)>
module attributes {stable_mosaic.version = 14 : i64} {
  func.func @k(%arg0: i32, %arg1: i32, %arg2: memref<320000xi32, #tpu.memory_space<hbm>>, %arg3: memref<10000xf32, #tpu.memory_space<hbm>>, %arg4: memref<10000xf32, #tpu.memory_space<hbm>>, %arg5: memref<80xi32, #tpu.memory_space<vmem>>, %arg6: memref<80xf32, #tpu.memory_space<vmem>>, %arg7: memref<2000xf32, #tpu.memory_space<vmem>>, %arg8: memref<10000xf32, #tpu.memory_space<vmem_shared>>) attributes {dimension_semantics = [#tpu.dimension_semantics<core_parallel>, #tpu.dimension_semantics<subcore_parallel>], iteration_bounds = array<i64: 2, 16>, scalar_prefetch = 0 : i64, scratch_operands = 4 : i64, tpu.core_type = #tpu.core_type<sc_vector_subcore>, window_params = [{transform_indices = #map}, {transform_indices = #map}, {transform_indices = #map}]} {
    %mul3A = arith.constant 16 : i32
    %mul3A_0 = arith.muli %arg0, %mul3A : i32
    %add3A = arith.addi %mul3A_0, %arg1 : i32
    %scan3A = arith.constant 0 : i32
    %scan3A_1 = arith.constant 0 : i32
    %scan3A_2 = arith.constant 125 : i32
    %scan3A_3 = arith.addi %scan3A_1, %scan3A_2 : i32
    %scan3A_4 = arith.constant 1 : i32
    scf.for %scan3A_50 = %scan3A_1 to %scan3A_3 step %scan3A_4  : i32 {
      %broadcast_in_dim3A_51 = arith.constant 0.000000e+00 : f32
      %broadcast_in_dim3A_52 = vector.broadcast %broadcast_in_dim3A_51 : f32 to vector<16xf32>
      %mul3A_53 = arith.constant 16 : i32
      %mul3A_54 = arith.muli %scan3A_50, %mul3A_53 : i32
      %swap3A_55 = arith.index_cast %mul3A_54 : i32 to index
      %swap3A_56 = tpu.vector_load %arg7[%swap3A_55] {strides = array<i32>} : memref<2000xf32, #tpu.memory_space<vmem>>, vector<16xf32>,
      %swap3A_57 = vector.shape_cast %swap3A_56 : vector<16xf32> to vector<16xf32>
      %swap3A_58 = vector.shape_cast %broadcast_in_dim3A_52 : vector<16xf32> to vector<16xf32>
      tpu.vector_store %arg7[%swap3A_55], %swap3A_58 {strides = array<i32>} : memref<2000xf32, #tpu.memory_space<vmem>>, vector<16xf32>,
    }
    %scan3A_5 = arith.constant 125 : i32
    %lt3A = arith.constant 5 : i32
    %lt3A_6 = arith.cmpi slt, %arg1, %lt3A : i32
    %convert_element_type3A = arith.extui %lt3A_6 : i1 to i32
    %cond3A = arith.constant 0 : i32
    %cond3A_7 = arith.cmpi ne, %convert_element_type3A, %cond3A : i32
    scf.if %cond3A_7 {
      %mul3A_50 = arith.constant 2000 : i32
      %mul3A_51 = arith.muli %arg1, %mul3A_50 : i32
      "tpu.region"() ({
        %run_scoped3A = tpu.sem_alloc : memref<!tpu.dma_semaphore, #tpu.memory_space<semaphore_mem>>
        %dma_start3A = tpu.memref_slice %arg8[%mul3A_51] : memref<10000xf32, #tpu.memory_space<vmem_shared>> -> memref<2000xf32, #tpu.memory_space<vmem_shared>>
        %dma_start3A_52 = tpu.memref_slice %arg8[%mul3A_51] : memref<10000xf32, #tpu.memory_space<vmem_shared>> -> memref<2000xf32, #tpu.memory_space<vmem_shared>>
        tpu.enqueue_dma source(%arg7 : memref<2000xf32, #tpu.memory_space<vmem>>) target(%dma_start3A_52 : memref<2000xf32, #tpu.memory_space<vmem_shared>>) target_semaphore(%run_scoped3A : memref<!tpu.dma_semaphore, #tpu.memory_space<semaphore_mem>>)
        %dma_wait3A = tpu.memref_slice %arg8[%mul3A_51] : memref<10000xf32, #tpu.memory_space<vmem_shared>> -> memref<2000xf32, #tpu.memory_space<vmem_shared>>
        %dma_wait3A_53 = tpu.memref_slice %arg8[%mul3A_51] : memref<10000xf32, #tpu.memory_space<vmem_shared>> -> memref<2000xf32, #tpu.memory_space<vmem_shared>>
        tpu.wait_dma2 semaphore(%run_scoped3A : memref<!tpu.dma_semaphore, #tpu.memory_space<semaphore_mem>>) src(%arg7 : memref<2000xf32, #tpu.memory_space<vmem>>) dst(%dma_wait3A_53 : memref<2000xf32, #tpu.memory_space<vmem_shared>>)
        tpu.yield
      }) : () -> ()
    } else {
    }
    %broadcast_in_dim3A = arith.constant 1.000000e+00 : f32
    %broadcast_in_dim3A_8 = vector.broadcast %broadcast_in_dim3A : f32 to vector<16xf32>
    %swap3A = arith.constant 0 : index
    %swap3A_9 = tpu.vector_load %arg6[%swap3A] {strides = array<i32>} : memref<80xf32, #tpu.memory_space<vmem>>, vector<16xf32>,
    %swap3A_10 = vector.shape_cast %swap3A_9 : vector<16xf32> to vector<16xf32>
    %swap3A_11 = vector.shape_cast %broadcast_in_dim3A_8 : vector<16xf32> to vector<16xf32>
    tpu.vector_store %arg6[%swap3A], %swap3A_11 {strides = array<i32>} : memref<80xf32, #tpu.memory_space<vmem>>, vector<16xf32>,
    %broadcast_in_dim3A_12 = arith.constant 1.000000e+00 : f32
    %broadcast_in_dim3A_13 = vector.broadcast %broadcast_in_dim3A_12 : f32 to vector<16xf32>
    %swap3A_14 = arith.constant 16 : index
    %swap3A_15 = tpu.vector_load %arg6[%swap3A_14] {strides = array<i32>} : memref<80xf32, #tpu.memory_space<vmem>>, vector<16xf32>,
    %swap3A_16 = vector.shape_cast %swap3A_15 : vector<16xf32> to vector<16xf32>
    %swap3A_17 = vector.shape_cast %broadcast_in_dim3A_13 : vector<16xf32> to vector<16xf32>
    tpu.vector_store %arg6[%swap3A_14], %swap3A_17 {strides = array<i32>} : memref<80xf32, #tpu.memory_space<vmem>>, vector<16xf32>,
    %broadcast_in_dim3A_18 = arith.constant 1.000000e+00 : f32
    %broadcast_in_dim3A_19 = vector.broadcast %broadcast_in_dim3A_18 : f32 to vector<16xf32>
    %swap3A_20 = arith.constant 32 : index
    %swap3A_21 = tpu.vector_load %arg6[%swap3A_20] {strides = array<i32>} : memref<80xf32, #tpu.memory_space<vmem>>, vector<16xf32>,
    %swap3A_22 = vector.shape_cast %swap3A_21 : vector<16xf32> to vector<16xf32>
    %swap3A_23 = vector.shape_cast %broadcast_in_dim3A_19 : vector<16xf32> to vector<16xf32>
    tpu.vector_store %arg6[%swap3A_20], %swap3A_23 {strides = array<i32>} : memref<80xf32, #tpu.memory_space<vmem>>, vector<16xf32>,
    %broadcast_in_dim3A_24 = arith.constant 1.000000e+00 : f32
    %broadcast_in_dim3A_25 = vector.broadcast %broadcast_in_dim3A_24 : f32 to vector<16xf32>
    %swap3A_26 = arith.constant 48 : index
    %swap3A_27 = tpu.vector_load %arg6[%swap3A_26] {strides = array<i32>} : memref<80xf32, #tpu.memory_space<vmem>>, vector<16xf32>,
    %swap3A_28 = vector.shape_cast %swap3A_27 : vector<16xf32> to vector<16xf32>
    %swap3A_29 = vector.shape_cast %broadcast_in_dim3A_25 : vector<16xf32> to vector<16xf32>
    tpu.vector_store %arg6[%swap3A_26], %swap3A_29 {strides = array<i32>} : memref<80xf32, #tpu.memory_space<vmem>>, vector<16xf32>,
    %broadcast_in_dim3A_30 = arith.constant 1.000000e+00 : f32
    %broadcast_in_dim3A_31 = vector.broadcast %broadcast_in_dim3A_30 : f32 to vector<16xf32>
    %swap3A_32 = arith.constant 64 : index
    %swap3A_33 = tpu.vector_load %arg6[%swap3A_32] {strides = array<i32>} : memref<80xf32, #tpu.memory_space<vmem>>, vector<16xf32>,
    %swap3A_34 = vector.shape_cast %swap3A_33 : vector<16xf32> to vector<16xf32>
    %swap3A_35 = vector.shape_cast %broadcast_in_dim3A_31 : vector<16xf32> to vector<16xf32>
    tpu.vector_store %arg6[%swap3A_32], %swap3A_35 {strides = array<i32>} : memref<80xf32, #tpu.memory_space<vmem>>, vector<16xf32>,
    %barrier3A = arith.constant 0 : index
    tpu.barrier barrier_id(%barrier3A)
    %mul3A_36 = arith.constant 10000 : i32
    %mul3A_37 = arith.muli %add3A, %mul3A_36 : i32
    %scan3A_38 = arith.constant 0 : i32
    %scan3A_39 = arith.constant 0 : i32
    %scan3A_40 = arith.constant 125 : i32
    %scan3A_41 = arith.addi %scan3A_39, %scan3A_40 : i32
    %scan3A_42 = arith.constant 1 : i32
    scf.for %scan3A_50 = %scan3A_39 to %scan3A_41 step %scan3A_42  : i32 {
      %mul3A_51 = arith.constant 80 : i32
      %mul3A_52 = arith.muli %scan3A_50, %mul3A_51 : i32
      %add3A_53 = arith.addi %mul3A_37, %mul3A_52 : i32
      %multiple_of3A = tpu.assume_multiple %add3A_53, 8 : i32
      "tpu.region"() ({
        %run_scoped3A = tpu.sem_alloc : memref<!tpu.dma_semaphore, #tpu.memory_space<semaphore_mem>>
        %dma_start3A = tpu.memref_slice %arg2[%multiple_of3A] : memref<320000xi32, #tpu.memory_space<hbm>> -> memref<80xi32, #tpu.memory_space<hbm>>
        %dma_start3A_54 = tpu.memref_slice %arg2[%multiple_of3A] : memref<320000xi32, #tpu.memory_space<hbm>> -> memref<80xi32, #tpu.memory_space<hbm>>
        tpu.enqueue_dma source(%dma_start3A_54 : memref<80xi32, #tpu.memory_space<hbm>>) target(%arg5 : memref<80xi32, #tpu.memory_space<vmem>>) target_semaphore(%run_scoped3A : memref<!tpu.dma_semaphore, #tpu.memory_space<semaphore_mem>>)
        %dma_wait3A = tpu.memref_slice %arg2[%multiple_of3A] : memref<320000xi32, #tpu.memory_space<hbm>> -> memref<80xi32, #tpu.memory_space<hbm>>
        %dma_wait3A_55 = tpu.memref_slice %arg2[%multiple_of3A] : memref<320000xi32, #tpu.memory_space<hbm>> -> memref<80xi32, #tpu.memory_space<hbm>>
        tpu.wait_dma2 semaphore(%run_scoped3A : memref<!tpu.dma_semaphore, #tpu.memory_space<semaphore_mem>>) src(%dma_wait3A_55 : memref<80xi32, #tpu.memory_space<hbm>>) dst(%arg5 : memref<80xi32, #tpu.memory_space<vmem>>)
        tpu.yield
      }) : () -> ()
      "tpu.region"() ({
        %run_scoped3A = tpu.sem_alloc : memref<!tpu.dma_semaphore, #tpu.memory_space<semaphore_mem>>
        %dma_start3A = arith.constant 0 : i32
        %dma_start3A_54 = tpu.memref_slice %arg8[%dma_start3A] : memref<10000xf32, #tpu.memory_space<vmem_shared>> -> memref<10000xf32, #tpu.memory_space<vmem_shared>>
        tpu.enqueue_indirect_dma source(%arg6 : memref<80xf32, #tpu.memory_space<vmem>>) target(%dma_start3A_54 : memref<10000xf32, #tpu.memory_space<vmem_shared>>) offsets(%arg5 : memref<80xi32, #tpu.memory_space<vmem>>) semaphore(%run_scoped3A : memref<!tpu.dma_semaphore, #tpu.memory_space<semaphore_mem>>) {add = true}
        %dma_wait3A = arith.constant 0 : i32
        %dma_wait3A_55 = tpu.memref_slice %arg8[%dma_wait3A] : memref<10000xf32, #tpu.memory_space<vmem_shared>> -> memref<10000xf32, #tpu.memory_space<vmem_shared>>
        tpu.wait_indirect_dma semaphore(%run_scoped3A : memref<!tpu.dma_semaphore, #tpu.memory_space<semaphore_mem>>) src(%arg6 : memref<80xf32, #tpu.memory_space<vmem>>) dst(%dma_wait3A_55 : memref<10000xf32, #tpu.memory_space<vmem_shared>>)
        tpu.yield
      }) : () -> ()
    }
    %scan3A_43 = arith.constant 125 : i32
    %barrier3A_44 = arith.constant 0 : index
    tpu.barrier barrier_id(%barrier3A_44)
    %lt3A_45 = arith.constant 5 : i32
    %lt3A_46 = arith.cmpi slt, %arg1, %lt3A_45 : i32
    %convert_element_type3A_47 = arith.extui %lt3A_46 : i1 to i32
    %cond3A_48 = arith.constant 0 : i32
    %cond3A_49 = arith.cmpi ne, %convert_element_type3A_47, %cond3A_48 : i32
    scf.if %cond3A_49 {
      %mul3A_50 = arith.constant 2000 : i32
      %mul3A_51 = arith.muli %arg1, %mul3A_50 : i32
      "tpu.region"() ({
        %run_scoped3A = tpu.sem_alloc : memref<!tpu.dma_semaphore, #tpu.memory_space<semaphore_mem>>
        %dma_start3A = tpu.memref_slice %arg8[%mul3A_51] : memref<10000xf32, #tpu.memory_space<vmem_shared>> -> memref<2000xf32, #tpu.memory_space<vmem_shared>>
        %dma_start3A_61 = tpu.memref_slice %arg8[%mul3A_51] : memref<10000xf32, #tpu.memory_space<vmem_shared>> -> memref<2000xf32, #tpu.memory_space<vmem_shared>>
        tpu.enqueue_dma source(%dma_start3A_61 : memref<2000xf32, #tpu.memory_space<vmem_shared>>) target(%arg7 : memref<2000xf32, #tpu.memory_space<vmem>>) target_semaphore(%run_scoped3A : memref<!tpu.dma_semaphore, #tpu.memory_space<semaphore_mem>>)
        %dma_wait3A = tpu.memref_slice %arg8[%mul3A_51] : memref<10000xf32, #tpu.memory_space<vmem_shared>> -> memref<2000xf32, #tpu.memory_space<vmem_shared>>
        %dma_wait3A_62 = tpu.memref_slice %arg8[%mul3A_51] : memref<10000xf32, #tpu.memory_space<vmem_shared>> -> memref<2000xf32, #tpu.memory_space<vmem_shared>>
        tpu.wait_dma2 semaphore(%run_scoped3A : memref<!tpu.dma_semaphore, #tpu.memory_space<semaphore_mem>>) src(%dma_wait3A_62 : memref<2000xf32, #tpu.memory_space<vmem_shared>>) dst(%arg7 : memref<2000xf32, #tpu.memory_space<vmem>>)
        tpu.yield
      }) : () -> ()
      %eq3A = arith.constant 0 : i32
      %eq3A_52 = arith.cmpi eq, %arg0, %eq3A : i32
      %convert_element_type3A_53 = arith.extui %eq3A_52 : i1 to i32
      %cond3A_54 = arith.constant 0 : i32
      %cond3A_55 = arith.cmpi ne, %convert_element_type3A_53, %cond3A_54 : i32
      scf.if %cond3A_55 {
        %mul3A_61 = arith.constant 2000 : i32
        %mul3A_62 = arith.muli %arg1, %mul3A_61 : i32
        "tpu.region"() ({
          %run_scoped3A = tpu.sem_alloc : memref<!tpu.dma_semaphore, #tpu.memory_space<semaphore_mem>>
          %dma_start3A = tpu.memref_slice %arg3[%mul3A_62] : memref<10000xf32, #tpu.memory_space<hbm>> -> memref<2000xf32, #tpu.memory_space<hbm>>
          %dma_start3A_63 = tpu.memref_slice %arg3[%mul3A_62] : memref<10000xf32, #tpu.memory_space<hbm>> -> memref<2000xf32, #tpu.memory_space<hbm>>
          tpu.enqueue_dma source(%arg7 : memref<2000xf32, #tpu.memory_space<vmem>>) target(%dma_start3A_63 : memref<2000xf32, #tpu.memory_space<hbm>>) target_semaphore(%run_scoped3A : memref<!tpu.dma_semaphore, #tpu.memory_space<semaphore_mem>>)
          %dma_wait3A = tpu.memref_slice %arg3[%mul3A_62] : memref<10000xf32, #tpu.memory_space<hbm>> -> memref<2000xf32, #tpu.memory_space<hbm>>
          %dma_wait3A_64 = tpu.memref_slice %arg3[%mul3A_62] : memref<10000xf32, #tpu.memory_space<hbm>> -> memref<2000xf32, #tpu.memory_space<hbm>>
          tpu.wait_dma2 semaphore(%run_scoped3A : memref<!tpu.dma_semaphore, #tpu.memory_space<semaphore_mem>>) src(%arg7 : memref<2000xf32, #tpu.memory_space<vmem>>) dst(%dma_wait3A_64 : memref<2000xf32, #tpu.memory_space<hbm>>)
          tpu.yield
        }) : () -> ()
      } else {
      }
      %eq3A_56 = arith.constant 1 : i32
      %eq3A_57 = arith.cmpi eq, %arg0, %eq3A_56 : i32
      %convert_element_type3A_58 = arith.extui %eq3A_57 : i1 to i32
      %cond3A_59 = arith.constant 0 : i32
      %cond3A_60 = arith.cmpi ne, %convert_element_type3A_58, %cond3A_59 : i32
      scf.if %cond3A_60 {
        %mul3A_61 = arith.constant 2000 : i32
        %mul3A_62 = arith.muli %arg1, %mul3A_61 : i32
        "tpu.region"() ({
          %run_scoped3A = tpu.sem_alloc : memref<!tpu.dma_semaphore, #tpu.memory_space<semaphore_mem>>
          %dma_start3A = tpu.memref_slice %arg4[%mul3A_62] : memref<10000xf32, #tpu.memory_space<hbm>> -> memref<2000xf32, #tpu.memory_space<hbm>>
          %dma_start3A_63 = tpu.memref_slice %arg4[%mul3A_62] : memref<10000xf32, #tpu.memory_space<hbm>> -> memref<2000xf32, #tpu.memory_space<hbm>>
          tpu.enqueue_dma source(%arg7 : memref<2000xf32, #tpu.memory_space<vmem>>) target(%dma_start3A_63 : memref<2000xf32, #tpu.memory_space<hbm>>) target_semaphore(%run_scoped3A : memref<!tpu.dma_semaphore, #tpu.memory_space<semaphore_mem>>)
          %dma_wait3A = tpu.memref_slice %arg4[%mul3A_62] : memref<10000xf32, #tpu.memory_space<hbm>> -> memref<2000xf32, #tpu.memory_space<hbm>>
          %dma_wait3A_64 = tpu.memref_slice %arg4[%mul3A_62] : memref<10000xf32, #tpu.memory_space<hbm>> -> memref<2000xf32, #tpu.memory_space<hbm>>
          tpu.wait_dma2 semaphore(%run_scoped3A : memref<!tpu.dma_semaphore, #tpu.memory_space<semaphore_mem>>) src(%arg7 : memref<2000xf32, #tpu.memory_space<vmem>>) dst(%dma_wait3A_64 : memref<2000xf32, #tpu.memory_space<hbm>>)
          tpu.yield
        }) : () -> ()
      } else {
      }
    } else {
    }
    return
  }
}

#map = affine_map<(d0, d1) -> (0, 0)>
#map1 = affine_map<(d0, d1) -> (0)>
module attributes {stable_mosaic.version = 14 : i64} {
  func.func @k(%arg0: i32, %arg1: i32, %arg2: memref<10000x128xf32, #tpu.memory_space<hbm>>, %arg3: memref<320000xi32, #tpu.memory_space<hbm>>, %arg4: memref<320000xi32, #tpu.memory_space<hbm>>, %arg5: memref<10000x128xf32, #tpu.memory_space<hbm>>, %arg6: memref<10000x128xf32, #tpu.memory_space<hbm>>, %arg7: memref<80xi32, #tpu.memory_space<vmem>>, %arg8: memref<80xi32, #tpu.memory_space<vmem>>, %arg9: memref<80x128xf32, #tpu.memory_space<vmem>>, %arg10: memref<200x128xf32, #tpu.memory_space<vmem>>, %arg11: memref<10000x128xf32, #tpu.memory_space<vmem_shared>>, %arg12: memref<!tpu.dma_semaphore, #tpu.memory_space<semaphore_mem>>) attributes {dimension_semantics = [#tpu.dimension_semantics<core_parallel>, #tpu.dimension_semantics<subcore_parallel>], iteration_bounds = array<i64: 2, 16>, scalar_prefetch = 0 : i64, scratch_operands = 6 : i64, tpu.core_type = #tpu.core_type<sc_vector_subcore>, window_params = [{transform_indices = #map}, {transform_indices = #map1}, {transform_indices = #map1}, {transform_indices = #map}, {transform_indices = #map}]} {
    %mul3A = arith.constant 16 : i32
    %mul3A_0 = arith.muli %arg0, %mul3A : i32
    %add3A = arith.addi %mul3A_0, %arg1 : i32
    %scan3A = arith.constant 0 : i32
    %scan3A_1 = arith.constant 0 : i32
    %scan3A_2 = arith.constant 200 : i32
    %scan3A_3 = arith.addi %scan3A_1, %scan3A_2 : i32
    %scan3A_4 = arith.constant 1 : i32
    scf.for %scan3A_68 = %scan3A_1 to %scan3A_3 step %scan3A_4  : i32 {
      %scan3A_69 = arith.constant 0 : i32
      %scan3A_70 = arith.constant 8 : i32
      %scan3A_71 = arith.addi %scan3A_69, %scan3A_70 : i32
      %scan3A_72 = arith.constant 1 : i32
      scf.for %scan3A_74 = %scan3A_69 to %scan3A_71 step %scan3A_72  : i32 {
        %broadcast_in_dim3A = arith.constant 0.000000e+00 : f32
        %broadcast_in_dim3A_75 = vector.broadcast %broadcast_in_dim3A : f32 to vector<16xf32>
        %mul3A_76 = arith.constant 16 : i32
        %mul3A_77 = arith.muli %scan3A_74, %mul3A_76 : i32
        %swap3A = arith.index_cast %scan3A_68 : i32 to index
        %swap3A_78 = arith.index_cast %mul3A_77 : i32 to index
        %swap3A_79 = tpu.vector_load %arg10[%swap3A, %swap3A_78] {strides = array<i32>} : memref<200x128xf32, #tpu.memory_space<vmem>>, vector<1x16xf32>,
        %swap3A_80 = vector.shape_cast %swap3A_79 : vector<1x16xf32> to vector<16xf32>
        %swap3A_81 = vector.shape_cast %broadcast_in_dim3A_75 : vector<16xf32> to vector<1x16xf32>
        tpu.vector_store %arg10[%swap3A, %swap3A_78], %swap3A_81 {strides = array<i32>} : memref<200x128xf32, #tpu.memory_space<vmem>>, vector<1x16xf32>,
      }
      %scan3A_73 = arith.constant 8 : i32
    }
    %scan3A_5 = arith.constant 200 : i32
    %add3A_6 = arith.constant 0 : i32
    %add3A_7 = arith.addi %arg1, %add3A_6 : i32
    %lt3A = arith.constant 50 : i32
    %lt3A_8 = arith.cmpi slt, %add3A_7, %lt3A : i32
    %convert_element_type3A = arith.extui %lt3A_8 : i1 to i32
    %cond3A = arith.constant 0 : i32
    %cond3A_9 = arith.cmpi ne, %convert_element_type3A, %cond3A : i32
    scf.if %cond3A_9 {
      %mul3A_68 = arith.constant 200 : i32
      %mul3A_69 = arith.muli %add3A_7, %mul3A_68 : i32
      %multiple_of3A = tpu.assume_multiple %mul3A_69, 8 : i32
      "tpu.region"() ({
        %run_scoped3A = tpu.sem_alloc : memref<!tpu.dma_semaphore, #tpu.memory_space<semaphore_mem>>
        %dma_start3A = arith.constant 0 : i32
        %dma_start3A_70 = tpu.memref_slice %arg11[%multiple_of3A, %dma_start3A] : memref<10000x128xf32, #tpu.memory_space<vmem_shared>> -> memref<200x128xf32, #tpu.memory_space<vmem_shared>>
        %dma_start3A_71 = arith.constant 0 : i32
        %dma_start3A_72 = tpu.memref_slice %arg11[%multiple_of3A, %dma_start3A_71] : memref<10000x128xf32, #tpu.memory_space<vmem_shared>> -> memref<200x128xf32, #tpu.memory_space<vmem_shared>>
        tpu.enqueue_dma source(%arg10 : memref<200x128xf32, #tpu.memory_space<vmem>>) target(%dma_start3A_72 : memref<200x128xf32, #tpu.memory_space<vmem_shared>>) target_semaphore(%run_scoped3A : memref<!tpu.dma_semaphore, #tpu.memory_space<semaphore_mem>>)
        %dma_wait3A = arith.constant 0 : i32
        %dma_wait3A_73 = tpu.memref_slice %arg11[%multiple_of3A, %dma_wait3A] : memref<10000x128xf32, #tpu.memory_space<vmem_shared>> -> memref<200x128xf32, #tpu.memory_space<vmem_shared>>
        %dma_wait3A_74 = arith.constant 0 : i32
        %dma_wait3A_75 = tpu.memref_slice %arg11[%multiple_of3A, %dma_wait3A_74] : memref<10000x128xf32, #tpu.memory_space<vmem_shared>> -> memref<200x128xf32, #tpu.memory_space<vmem_shared>>
        tpu.wait_dma2 semaphore(%run_scoped3A : memref<!tpu.dma_semaphore, #tpu.memory_space<semaphore_mem>>) src(%arg10 : memref<200x128xf32, #tpu.memory_space<vmem>>) dst(%dma_wait3A_75 : memref<200x128xf32, #tpu.memory_space<vmem_shared>>)
        tpu.yield
      }) : () -> ()
    } else {
    }
    %add3A_10 = arith.constant 16 : i32
    %add3A_11 = arith.addi %arg1, %add3A_10 : i32
    %lt3A_12 = arith.constant 50 : i32
    %lt3A_13 = arith.cmpi slt, %add3A_11, %lt3A_12 : i32
    %convert_element_type3A_14 = arith.extui %lt3A_13 : i1 to i32
    %cond3A_15 = arith.constant 0 : i32
    %cond3A_16 = arith.cmpi ne, %convert_element_type3A_14, %cond3A_15 : i32
    scf.if %cond3A_16 {
      %mul3A_68 = arith.constant 200 : i32
      %mul3A_69 = arith.muli %add3A_11, %mul3A_68 : i32
      %multiple_of3A = tpu.assume_multiple %mul3A_69, 8 : i32
      "tpu.region"() ({
        %run_scoped3A = tpu.sem_alloc : memref<!tpu.dma_semaphore, #tpu.memory_space<semaphore_mem>>
        %dma_start3A = arith.constant 0 : i32
        %dma_start3A_70 = tpu.memref_slice %arg11[%multiple_of3A, %dma_start3A] : memref<10000x128xf32, #tpu.memory_space<vmem_shared>> -> memref<200x128xf32, #tpu.memory_space<vmem_shared>>
        %dma_start3A_71 = arith.constant 0 : i32
        %dma_start3A_72 = tpu.memref_slice %arg11[%multiple_of3A, %dma_start3A_71] : memref<10000x128xf32, #tpu.memory_space<vmem_shared>> -> memref<200x128xf32, #tpu.memory_space<vmem_shared>>
        tpu.enqueue_dma source(%arg10 : memref<200x128xf32, #tpu.memory_space<vmem>>) target(%dma_start3A_72 : memref<200x128xf32, #tpu.memory_space<vmem_shared>>) target_semaphore(%run_scoped3A : memref<!tpu.dma_semaphore, #tpu.memory_space<semaphore_mem>>)
        %dma_wait3A = arith.constant 0 : i32
        %dma_wait3A_73 = tpu.memref_slice %arg11[%multiple_of3A, %dma_wait3A] : memref<10000x128xf32, #tpu.memory_space<vmem_shared>> -> memref<200x128xf32, #tpu.memory_space<vmem_shared>>
        %dma_wait3A_74 = arith.constant 0 : i32
        %dma_wait3A_75 = tpu.memref_slice %arg11[%multiple_of3A, %dma_wait3A_74] : memref<10000x128xf32, #tpu.memory_space<vmem_shared>> -> memref<200x128xf32, #tpu.memory_space<vmem_shared>>
        tpu.wait_dma2 semaphore(%run_scoped3A : memref<!tpu.dma_semaphore, #tpu.memory_space<semaphore_mem>>) src(%arg10 : memref<200x128xf32, #tpu.memory_space<vmem>>) dst(%dma_wait3A_75 : memref<200x128xf32, #tpu.memory_space<vmem_shared>>)
        tpu.yield
      }) : () -> ()
    } else {
    }
    %add3A_17 = arith.constant 32 : i32
    %add3A_18 = arith.addi %arg1, %add3A_17 : i32
    %lt3A_19 = arith.constant 50 : i32
    %lt3A_20 = arith.cmpi slt, %add3A_18, %lt3A_19 : i32
    %convert_element_type3A_21 = arith.extui %lt3A_20 : i1 to i32
    %cond3A_22 = arith.constant 0 : i32
    %cond3A_23 = arith.cmpi ne, %convert_element_type3A_21, %cond3A_22 : i32
    scf.if %cond3A_23 {
      %mul3A_68 = arith.constant 200 : i32
      %mul3A_69 = arith.muli %add3A_18, %mul3A_68 : i32
      %multiple_of3A = tpu.assume_multiple %mul3A_69, 8 : i32
      "tpu.region"() ({
        %run_scoped3A = tpu.sem_alloc : memref<!tpu.dma_semaphore, #tpu.memory_space<semaphore_mem>>
        %dma_start3A = arith.constant 0 : i32
        %dma_start3A_70 = tpu.memref_slice %arg11[%multiple_of3A, %dma_start3A] : memref<10000x128xf32, #tpu.memory_space<vmem_shared>> -> memref<200x128xf32, #tpu.memory_space<vmem_shared>>
        %dma_start3A_71 = arith.constant 0 : i32
        %dma_start3A_72 = tpu.memref_slice %arg11[%multiple_of3A, %dma_start3A_71] : memref<10000x128xf32, #tpu.memory_space<vmem_shared>> -> memref<200x128xf32, #tpu.memory_space<vmem_shared>>
        tpu.enqueue_dma source(%arg10 : memref<200x128xf32, #tpu.memory_space<vmem>>) target(%dma_start3A_72 : memref<200x128xf32, #tpu.memory_space<vmem_shared>>) target_semaphore(%run_scoped3A : memref<!tpu.dma_semaphore, #tpu.memory_space<semaphore_mem>>)
        %dma_wait3A = arith.constant 0 : i32
        %dma_wait3A_73 = tpu.memref_slice %arg11[%multiple_of3A, %dma_wait3A] : memref<10000x128xf32, #tpu.memory_space<vmem_shared>> -> memref<200x128xf32, #tpu.memory_space<vmem_shared>>
        %dma_wait3A_74 = arith.constant 0 : i32
        %dma_wait3A_75 = tpu.memref_slice %arg11[%multiple_of3A, %dma_wait3A_74] : memref<10000x128xf32, #tpu.memory_space<vmem_shared>> -> memref<200x128xf32, #tpu.memory_space<vmem_shared>>
        tpu.wait_dma2 semaphore(%run_scoped3A : memref<!tpu.dma_semaphore, #tpu.memory_space<semaphore_mem>>) src(%arg10 : memref<200x128xf32, #tpu.memory_space<vmem>>) dst(%dma_wait3A_75 : memref<200x128xf32, #tpu.memory_space<vmem_shared>>)
        tpu.yield
      }) : () -> ()
    } else {
    }
    %add3A_24 = arith.constant 48 : i32
    %add3A_25 = arith.addi %arg1, %add3A_24 : i32
    %lt3A_26 = arith.constant 50 : i32
    %lt3A_27 = arith.cmpi slt, %add3A_25, %lt3A_26 : i32
    %convert_element_type3A_28 = arith.extui %lt3A_27 : i1 to i32
    %cond3A_29 = arith.constant 0 : i32
    %cond3A_30 = arith.cmpi ne, %convert_element_type3A_28, %cond3A_29 : i32
    scf.if %cond3A_30 {
      %mul3A_68 = arith.constant 200 : i32
      %mul3A_69 = arith.muli %add3A_25, %mul3A_68 : i32
      %multiple_of3A = tpu.assume_multiple %mul3A_69, 8 : i32
      "tpu.region"() ({
        %run_scoped3A = tpu.sem_alloc : memref<!tpu.dma_semaphore, #tpu.memory_space<semaphore_mem>>
        %dma_start3A = arith.constant 0 : i32
        %dma_start3A_70 = tpu.memref_slice %arg11[%multiple_of3A, %dma_start3A] : memref<10000x128xf32, #tpu.memory_space<vmem_shared>> -> memref<200x128xf32, #tpu.memory_space<vmem_shared>>
        %dma_start3A_71 = arith.constant 0 : i32
        %dma_start3A_72 = tpu.memref_slice %arg11[%multiple_of3A, %dma_start3A_71] : memref<10000x128xf32, #tpu.memory_space<vmem_shared>> -> memref<200x128xf32, #tpu.memory_space<vmem_shared>>
        tpu.enqueue_dma source(%arg10 : memref<200x128xf32, #tpu.memory_space<vmem>>) target(%dma_start3A_72 : memref<200x128xf32, #tpu.memory_space<vmem_shared>>) target_semaphore(%run_scoped3A : memref<!tpu.dma_semaphore, #tpu.memory_space<semaphore_mem>>)
        %dma_wait3A = arith.constant 0 : i32
        %dma_wait3A_73 = tpu.memref_slice %arg11[%multiple_of3A, %dma_wait3A] : memref<10000x128xf32, #tpu.memory_space<vmem_shared>> -> memref<200x128xf32, #tpu.memory_space<vmem_shared>>
        %dma_wait3A_74 = arith.constant 0 : i32
        %dma_wait3A_75 = tpu.memref_slice %arg11[%multiple_of3A, %dma_wait3A_74] : memref<10000x128xf32, #tpu.memory_space<vmem_shared>> -> memref<200x128xf32, #tpu.memory_space<vmem_shared>>
        tpu.wait_dma2 semaphore(%run_scoped3A : memref<!tpu.dma_semaphore, #tpu.memory_space<semaphore_mem>>) src(%arg10 : memref<200x128xf32, #tpu.memory_space<vmem>>) dst(%dma_wait3A_75 : memref<200x128xf32, #tpu.memory_space<vmem_shared>>)
        tpu.yield
      }) : () -> ()
    } else {
    }
    %barrier3A = arith.constant 0 : index
    tpu.barrier barrier_id(%barrier3A)
    %mul3A_31 = arith.constant 10000 : i32
    %mul3A_32 = arith.muli %add3A, %mul3A_31 : i32
    %scan3A_33 = arith.constant 0 : i32
    %scan3A_34 = arith.constant 0 : i32
    %scan3A_35 = arith.constant 125 : i32
    %scan3A_36 = arith.addi %scan3A_34, %scan3A_35 : i32
    %scan3A_37 = arith.constant 1 : i32
    scf.for %scan3A_68 = %scan3A_34 to %scan3A_36 step %scan3A_37  : i32 {
      %mul3A_69 = arith.constant 80 : i32
      %mul3A_70 = arith.muli %scan3A_68, %mul3A_69 : i32
      %add3A_71 = arith.addi %mul3A_32, %mul3A_70 : i32
      %multiple_of3A = tpu.assume_multiple %add3A_71, 8 : i32
      "tpu.region"() ({
        %run_scoped3A = tpu.sem_alloc : memref<!tpu.dma_semaphore, #tpu.memory_space<semaphore_mem>>
        %dma_start3A_76 = tpu.memref_slice %arg3[%multiple_of3A] : memref<320000xi32, #tpu.memory_space<hbm>> -> memref<80xi32, #tpu.memory_space<hbm>>
        %dma_start3A_77 = tpu.memref_slice %arg3[%multiple_of3A] : memref<320000xi32, #tpu.memory_space<hbm>> -> memref<80xi32, #tpu.memory_space<hbm>>
        tpu.enqueue_dma source(%dma_start3A_77 : memref<80xi32, #tpu.memory_space<hbm>>) target(%arg7 : memref<80xi32, #tpu.memory_space<vmem>>) target_semaphore(%run_scoped3A : memref<!tpu.dma_semaphore, #tpu.memory_space<semaphore_mem>>)
        %dma_wait3A_78 = tpu.memref_slice %arg3[%multiple_of3A] : memref<320000xi32, #tpu.memory_space<hbm>> -> memref<80xi32, #tpu.memory_space<hbm>>
        %dma_wait3A_79 = tpu.memref_slice %arg3[%multiple_of3A] : memref<320000xi32, #tpu.memory_space<hbm>> -> memref<80xi32, #tpu.memory_space<hbm>>
        tpu.wait_dma2 semaphore(%run_scoped3A : memref<!tpu.dma_semaphore, #tpu.memory_space<semaphore_mem>>) src(%dma_wait3A_79 : memref<80xi32, #tpu.memory_space<hbm>>) dst(%arg7 : memref<80xi32, #tpu.memory_space<vmem>>)
        tpu.yield
      }) : () -> ()
      "tpu.region"() ({
        %run_scoped3A = tpu.sem_alloc : memref<!tpu.dma_semaphore, #tpu.memory_space<semaphore_mem>>
        %dma_start3A_76 = tpu.memref_slice %arg4[%multiple_of3A] : memref<320000xi32, #tpu.memory_space<hbm>> -> memref<80xi32, #tpu.memory_space<hbm>>
        %dma_start3A_77 = tpu.memref_slice %arg4[%multiple_of3A] : memref<320000xi32, #tpu.memory_space<hbm>> -> memref<80xi32, #tpu.memory_space<hbm>>
        tpu.enqueue_dma source(%dma_start3A_77 : memref<80xi32, #tpu.memory_space<hbm>>) target(%arg8 : memref<80xi32, #tpu.memory_space<vmem>>) target_semaphore(%run_scoped3A : memref<!tpu.dma_semaphore, #tpu.memory_space<semaphore_mem>>)
        %dma_wait3A_78 = tpu.memref_slice %arg4[%multiple_of3A] : memref<320000xi32, #tpu.memory_space<hbm>> -> memref<80xi32, #tpu.memory_space<hbm>>
        %dma_wait3A_79 = tpu.memref_slice %arg4[%multiple_of3A] : memref<320000xi32, #tpu.memory_space<hbm>> -> memref<80xi32, #tpu.memory_space<hbm>>
        tpu.wait_dma2 semaphore(%run_scoped3A : memref<!tpu.dma_semaphore, #tpu.memory_space<semaphore_mem>>) src(%dma_wait3A_79 : memref<80xi32, #tpu.memory_space<hbm>>) dst(%arg8 : memref<80xi32, #tpu.memory_space<vmem>>)
        tpu.yield
      }) : () -> ()
      %dma_start3A = arith.constant 0 : i32
      %dma_start3A_72 = arith.constant 0 : i32
      %dma_start3A_73 = tpu.memref_slice %arg2[%dma_start3A, %dma_start3A_72] : memref<10000x128xf32, #tpu.memory_space<hbm>> -> memref<10000x128xf32, #tpu.memory_space<hbm>>
      tpu.enqueue_indirect_dma source(%dma_start3A_73 : memref<10000x128xf32, #tpu.memory_space<hbm>>) target(%arg9 : memref<80x128xf32, #tpu.memory_space<vmem>>) offsets(%arg7 : memref<80xi32, #tpu.memory_space<vmem>>) semaphore(%arg12 : memref<!tpu.dma_semaphore, #tpu.memory_space<semaphore_mem>>)
      %dma_wait3A = arith.constant 0 : i32
      %dma_wait3A_74 = arith.constant 0 : i32
      %dma_wait3A_75 = tpu.memref_slice %arg2[%dma_wait3A, %dma_wait3A_74] : memref<10000x128xf32, #tpu.memory_space<hbm>> -> memref<10000x128xf32, #tpu.memory_space<hbm>>
      tpu.wait_indirect_dma semaphore(%arg12 : memref<!tpu.dma_semaphore, #tpu.memory_space<semaphore_mem>>) src(%dma_wait3A_75 : memref<10000x128xf32, #tpu.memory_space<hbm>>) dst(%arg9 : memref<80x128xf32, #tpu.memory_space<vmem>>)
      "tpu.region"() ({
        %run_scoped3A = tpu.sem_alloc : memref<!tpu.dma_semaphore, #tpu.memory_space<semaphore_mem>>
        %dma_start3A_76 = arith.constant 0 : i32
        %dma_start3A_77 = arith.constant 0 : i32
        %dma_start3A_78 = tpu.memref_slice %arg11[%dma_start3A_76, %dma_start3A_77] : memref<10000x128xf32, #tpu.memory_space<vmem_shared>> -> memref<10000x128xf32, #tpu.memory_space<vmem_shared>>
        tpu.enqueue_indirect_dma source(%arg9 : memref<80x128xf32, #tpu.memory_space<vmem>>) target(%dma_start3A_78 : memref<10000x128xf32, #tpu.memory_space<vmem_shared>>) offsets(%arg8 : memref<80xi32, #tpu.memory_space<vmem>>) semaphore(%run_scoped3A : memref<!tpu.dma_semaphore, #tpu.memory_space<semaphore_mem>>) {add = true}
        %dma_wait3A_79 = arith.constant 0 : i32
        %dma_wait3A_80 = arith.constant 0 : i32
        %dma_wait3A_81 = tpu.memref_slice %arg11[%dma_wait3A_79, %dma_wait3A_80] : memref<10000x128xf32, #tpu.memory_space<vmem_shared>> -> memref<10000x128xf32, #tpu.memory_space<vmem_shared>>
        tpu.wait_indirect_dma semaphore(%run_scoped3A : memref<!tpu.dma_semaphore, #tpu.memory_space<semaphore_mem>>) src(%arg9 : memref<80x128xf32, #tpu.memory_space<vmem>>) dst(%dma_wait3A_81 : memref<10000x128xf32, #tpu.memory_space<vmem_shared>>)
        tpu.yield
      }) : () -> ()
    }
    %scan3A_38 = arith.constant 125 : i32
    %barrier3A_39 = arith.constant 0 : index
    tpu.barrier barrier_id(%barrier3A_39)
    %add3A_40 = arith.constant 0 : i32
    %add3A_41 = arith.addi %arg1, %add3A_40 : i32
    %lt3A_42 = arith.constant 50 : i32
    %lt3A_43 = arith.cmpi slt, %add3A_41, %lt3A_42 : i32
    %convert_element_type3A_44 = arith.extui %lt3A_43 : i1 to i32
    %cond3A_45 = arith.constant 0 : i32
    %cond3A_46 = arith.cmpi ne, %convert_element_type3A_44, %cond3A_45 : i32
    scf.if %cond3A_46 {
      %mul3A_68 = arith.constant 200 : i32
      %mul3A_69 = arith.muli %add3A_41, %mul3A_68 : i32
      %multiple_of3A = tpu.assume_multiple %mul3A_69, 8 : i32
      "tpu.region"() ({
        %run_scoped3A = tpu.sem_alloc : memref<!tpu.dma_semaphore, #tpu.memory_space<semaphore_mem>>
        %dma_start3A = arith.constant 0 : i32
        %dma_start3A_79 = tpu.memref_slice %arg11[%multiple_of3A, %dma_start3A] : memref<10000x128xf32, #tpu.memory_space<vmem_shared>> -> memref<200x128xf32, #tpu.memory_space<vmem_shared>>
        %dma_start3A_80 = arith.constant 0 : i32
        %dma_start3A_81 = tpu.memref_slice %arg11[%multiple_of3A, %dma_start3A_80] : memref<10000x128xf32, #tpu.memory_space<vmem_shared>> -> memref<200x128xf32, #tpu.memory_space<vmem_shared>>
        tpu.enqueue_dma source(%dma_start3A_81 : memref<200x128xf32, #tpu.memory_space<vmem_shared>>) target(%arg10 : memref<200x128xf32, #tpu.memory_space<vmem>>) target_semaphore(%run_scoped3A : memref<!tpu.dma_semaphore, #tpu.memory_space<semaphore_mem>>)
        %dma_wait3A = arith.constant 0 : i32
        %dma_wait3A_82 = tpu.memref_slice %arg11[%multiple_of3A, %dma_wait3A] : memref<10000x128xf32, #tpu.memory_space<vmem_shared>> -> memref<200x128xf32, #tpu.memory_space<vmem_shared>>
        %dma_wait3A_83 = arith.constant 0 : i32
        %dma_wait3A_84 = tpu.memref_slice %arg11[%multiple_of3A, %dma_wait3A_83] : memref<10000x128xf32, #tpu.memory_space<vmem_shared>> -> memref<200x128xf32, #tpu.memory_space<vmem_shared>>
        tpu.wait_dma2 semaphore(%run_scoped3A : memref<!tpu.dma_semaphore, #tpu.memory_space<semaphore_mem>>) src(%dma_wait3A_84 : memref<200x128xf32, #tpu.memory_space<vmem_shared>>) dst(%arg10 : memref<200x128xf32, #tpu.memory_space<vmem>>)
        tpu.yield
      }) : () -> ()
      %eq3A = arith.constant 0 : i32
      %eq3A_70 = arith.cmpi eq, %arg0, %eq3A : i32
      %convert_element_type3A_71 = arith.extui %eq3A_70 : i1 to i32
      %cond3A_72 = arith.constant 0 : i32
      %cond3A_73 = arith.cmpi ne, %convert_element_type3A_71, %cond3A_72 : i32
      scf.if %cond3A_73 {
        "tpu.region"() ({
          %run_scoped3A = tpu.sem_alloc : memref<!tpu.dma_semaphore, #tpu.memory_space<semaphore_mem>>
          %dma_start3A = arith.constant 0 : i32
          %dma_start3A_79 = tpu.memref_slice %arg5[%multiple_of3A, %dma_start3A] : memref<10000x128xf32, #tpu.memory_space<hbm>> -> memref<200x128xf32, #tpu.memory_space<hbm>>
          %dma_start3A_80 = arith.constant 0 : i32
          %dma_start3A_81 = tpu.memref_slice %arg5[%multiple_of3A, %dma_start3A_80] : memref<10000x128xf32, #tpu.memory_space<hbm>> -> memref<200x128xf32, #tpu.memory_space<hbm>>
          tpu.enqueue_dma source(%arg10 : memref<200x128xf32, #tpu.memory_space<vmem>>) target(%dma_start3A_81 : memref<200x128xf32, #tpu.memory_space<hbm>>) target_semaphore(%run_scoped3A : memref<!tpu.dma_semaphore, #tpu.memory_space<semaphore_mem>>)
          %dma_wait3A = arith.constant 0 : i32
          %dma_wait3A_82 = tpu.memref_slice %arg5[%multiple_of3A, %dma_wait3A] : memref<10000x128xf32, #tpu.memory_space<hbm>> -> memref<200x128xf32, #tpu.memory_space<hbm>>
          %dma_wait3A_83 = arith.constant 0 : i32
          %dma_wait3A_84 = tpu.memref_slice %arg5[%multiple_of3A, %dma_wait3A_83] : memref<10000x128xf32, #tpu.memory_space<hbm>> -> memref<200x128xf32, #tpu.memory_space<hbm>>
          tpu.wait_dma2 semaphore(%run_scoped3A : memref<!tpu.dma_semaphore, #tpu.memory_space<semaphore_mem>>) src(%arg10 : memref<200x128xf32, #tpu.memory_space<vmem>>) dst(%dma_wait3A_84 : memref<200x128xf32, #tpu.memory_space<hbm>>)
          tpu.yield
        }) : () -> ()
      } else {
      }
      %eq3A_74 = arith.constant 1 : i32
      %eq3A_75 = arith.cmpi eq, %arg0, %eq3A_74 : i32
      %convert_element_type3A_76 = arith.extui %eq3A_75 : i1 to i32
      %cond3A_77 = arith.constant 0 : i32
      %cond3A_78 = arith.cmpi ne, %convert_element_type3A_76, %cond3A_77 : i32
      scf.if %cond3A_78 {
        "tpu.region"() ({
          %run_scoped3A = tpu.sem_alloc : memref<!tpu.dma_semaphore, #tpu.memory_space<semaphore_mem>>
          %dma_start3A = arith.constant 0 : i32
          %dma_start3A_79 = tpu.memref_slice %arg6[%multiple_of3A, %dma_start3A] : memref<10000x128xf32, #tpu.memory_space<hbm>> -> memref<200x128xf32, #tpu.memory_space<hbm>>
          %dma_start3A_80 = arith.constant 0 : i32
          %dma_start3A_81 = tpu.memref_slice %arg6[%multiple_of3A, %dma_start3A_80] : memref<10000x128xf32, #tpu.memory_space<hbm>> -> memref<200x128xf32, #tpu.memory_space<hbm>>
          tpu.enqueue_dma source(%arg10 : memref<200x128xf32, #tpu.memory_space<vmem>>) target(%dma_start3A_81 : memref<200x128xf32, #tpu.memory_space<hbm>>) target_semaphore(%run_scoped3A : memref<!tpu.dma_semaphore, #tpu.memory_space<semaphore_mem>>)
          %dma_wait3A = arith.constant 0 : i32
          %dma_wait3A_82 = tpu.memref_slice %arg6[%multiple_of3A, %dma_wait3A] : memref<10000x128xf32, #tpu.memory_space<hbm>> -> memref<200x128xf32, #tpu.memory_space<hbm>>
          %dma_wait3A_83 = arith.constant 0 : i32
          %dma_wait3A_84 = tpu.memref_slice %arg6[%multiple_of3A, %dma_wait3A_83] : memref<10000x128xf32, #tpu.memory_space<hbm>> -> memref<200x128xf32, #tpu.memory_space<hbm>>
          tpu.wait_dma2 semaphore(%run_scoped3A : memref<!tpu.dma_semaphore, #tpu.memory_space<semaphore_mem>>) src(%arg10 : memref<200x128xf32, #tpu.memory_space<vmem>>) dst(%dma_wait3A_84 : memref<200x128xf32, #tpu.memory_space<hbm>>)
          tpu.yield
        }) : () -> ()
      } else {
      }
    } else {
    }
    %add3A_47 = arith.constant 16 : i32
    %add3A_48 = arith.addi %arg1, %add3A_47 : i32
    %lt3A_49 = arith.constant 50 : i32
    %lt3A_50 = arith.cmpi slt, %add3A_48, %lt3A_49 : i32
    %convert_element_type3A_51 = arith.extui %lt3A_50 : i1 to i32
    %cond3A_52 = arith.constant 0 : i32
    %cond3A_53 = arith.cmpi ne, %convert_element_type3A_51, %cond3A_52 : i32
    scf.if %cond3A_53 {
      %mul3A_68 = arith.constant 200 : i32
      %mul3A_69 = arith.muli %add3A_48, %mul3A_68 : i32
      %multiple_of3A = tpu.assume_multiple %mul3A_69, 8 : i32
      "tpu.region"() ({
        %run_scoped3A = tpu.sem_alloc : memref<!tpu.dma_semaphore, #tpu.memory_space<semaphore_mem>>
        %dma_start3A = arith.constant 0 : i32
        %dma_start3A_79 = tpu.memref_slice %arg11[%multiple_of3A, %dma_start3A] : memref<10000x128xf32, #tpu.memory_space<vmem_shared>> -> memref<200x128xf32, #tpu.memory_space<vmem_shared>>
        %dma_start3A_80 = arith.constant 0 : i32
        %dma_start3A_81 = tpu.memref_slice %arg11[%multiple_of3A, %dma_start3A_80] : memref<10000x128xf32, #tpu.memory_space<vmem_shared>> -> memref<200x128xf32, #tpu.memory_space<vmem_shared>>
        tpu.enqueue_dma source(%dma_start3A_81 : memref<200x128xf32, #tpu.memory_space<vmem_shared>>) target(%arg10 : memref<200x128xf32, #tpu.memory_space<vmem>>) target_semaphore(%run_scoped3A : memref<!tpu.dma_semaphore, #tpu.memory_space<semaphore_mem>>)
        %dma_wait3A = arith.constant 0 : i32
        %dma_wait3A_82 = tpu.memref_slice %arg11[%multiple_of3A, %dma_wait3A] : memref<10000x128xf32, #tpu.memory_space<vmem_shared>> -> memref<200x128xf32, #tpu.memory_space<vmem_shared>>
        %dma_wait3A_83 = arith.constant 0 : i32
        %dma_wait3A_84 = tpu.memref_slice %arg11[%multiple_of3A, %dma_wait3A_83] : memref<10000x128xf32, #tpu.memory_space<vmem_shared>> -> memref<200x128xf32, #tpu.memory_space<vmem_shared>>
        tpu.wait_dma2 semaphore(%run_scoped3A : memref<!tpu.dma_semaphore, #tpu.memory_space<semaphore_mem>>) src(%dma_wait3A_84 : memref<200x128xf32, #tpu.memory_space<vmem_shared>>) dst(%arg10 : memref<200x128xf32, #tpu.memory_space<vmem>>)
        tpu.yield
      }) : () -> ()
      %eq3A = arith.constant 0 : i32
      %eq3A_70 = arith.cmpi eq, %arg0, %eq3A : i32
      %convert_element_type3A_71 = arith.extui %eq3A_70 : i1 to i32
      %cond3A_72 = arith.constant 0 : i32
      %cond3A_73 = arith.cmpi ne, %convert_element_type3A_71, %cond3A_72 : i32
      scf.if %cond3A_73 {
        "tpu.region"() ({
          %run_scoped3A = tpu.sem_alloc : memref<!tpu.dma_semaphore, #tpu.memory_space<semaphore_mem>>
          %dma_start3A = arith.constant 0 : i32
          %dma_start3A_79 = tpu.memref_slice %arg5[%multiple_of3A, %dma_start3A] : memref<10000x128xf32, #tpu.memory_space<hbm>> -> memref<200x128xf32, #tpu.memory_space<hbm>>
          %dma_start3A_80 = arith.constant 0 : i32
          %dma_start3A_81 = tpu.memref_slice %arg5[%multiple_of3A, %dma_start3A_80] : memref<10000x128xf32, #tpu.memory_space<hbm>> -> memref<200x128xf32, #tpu.memory_space<hbm>>
          tpu.enqueue_dma source(%arg10 : memref<200x128xf32, #tpu.memory_space<vmem>>) target(%dma_start3A_81 : memref<200x128xf32, #tpu.memory_space<hbm>>) target_semaphore(%run_scoped3A : memref<!tpu.dma_semaphore, #tpu.memory_space<semaphore_mem>>)
          %dma_wait3A = arith.constant 0 : i32
          %dma_wait3A_82 = tpu.memref_slice %arg5[%multiple_of3A, %dma_wait3A] : memref<10000x128xf32, #tpu.memory_space<hbm>> -> memref<200x128xf32, #tpu.memory_space<hbm>>
          %dma_wait3A_83 = arith.constant 0 : i32
          %dma_wait3A_84 = tpu.memref_slice %arg5[%multiple_of3A, %dma_wait3A_83] : memref<10000x128xf32, #tpu.memory_space<hbm>> -> memref<200x128xf32, #tpu.memory_space<hbm>>
          tpu.wait_dma2 semaphore(%run_scoped3A : memref<!tpu.dma_semaphore, #tpu.memory_space<semaphore_mem>>) src(%arg10 : memref<200x128xf32, #tpu.memory_space<vmem>>) dst(%dma_wait3A_84 : memref<200x128xf32, #tpu.memory_space<hbm>>)
          tpu.yield
        }) : () -> ()
      } else {
      }
      %eq3A_74 = arith.constant 1 : i32
      %eq3A_75 = arith.cmpi eq, %arg0, %eq3A_74 : i32
      %convert_element_type3A_76 = arith.extui %eq3A_75 : i1 to i32
      %cond3A_77 = arith.constant 0 : i32
      %cond3A_78 = arith.cmpi ne, %convert_element_type3A_76, %cond3A_77 : i32
      scf.if %cond3A_78 {
        "tpu.region"() ({
          %run_scoped3A = tpu.sem_alloc : memref<!tpu.dma_semaphore, #tpu.memory_space<semaphore_mem>>
          %dma_start3A = arith.constant 0 : i32
          %dma_start3A_79 = tpu.memref_slice %arg6[%multiple_of3A, %dma_start3A] : memref<10000x128xf32, #tpu.memory_space<hbm>> -> memref<200x128xf32, #tpu.memory_space<hbm>>
          %dma_start3A_80 = arith.constant 0 : i32
          %dma_start3A_81 = tpu.memref_slice %arg6[%multiple_of3A, %dma_start3A_80] : memref<10000x128xf32, #tpu.memory_space<hbm>> -> memref<200x128xf32, #tpu.memory_space<hbm>>
          tpu.enqueue_dma source(%arg10 : memref<200x128xf32, #tpu.memory_space<vmem>>) target(%dma_start3A_81 : memref<200x128xf32, #tpu.memory_space<hbm>>) target_semaphore(%run_scoped3A : memref<!tpu.dma_semaphore, #tpu.memory_space<semaphore_mem>>)
          %dma_wait3A = arith.constant 0 : i32
          %dma_wait3A_82 = tpu.memref_slice %arg6[%multiple_of3A, %dma_wait3A] : memref<10000x128xf32, #tpu.memory_space<hbm>> -> memref<200x128xf32, #tpu.memory_space<hbm>>
          %dma_wait3A_83 = arith.constant 0 : i32
          %dma_wait3A_84 = tpu.memref_slice %arg6[%multiple_of3A, %dma_wait3A_83] : memref<10000x128xf32, #tpu.memory_space<hbm>> -> memref<200x128xf32, #tpu.memory_space<hbm>>
          tpu.wait_dma2 semaphore(%run_scoped3A : memref<!tpu.dma_semaphore, #tpu.memory_space<semaphore_mem>>) src(%arg10 : memref<200x128xf32, #tpu.memory_space<vmem>>) dst(%dma_wait3A_84 : memref<200x128xf32, #tpu.memory_space<hbm>>)
          tpu.yield
        }) : () -> ()
      } else {
      }
    } else {
    }
    %add3A_54 = arith.constant 32 : i32
    %add3A_55 = arith.addi %arg1, %add3A_54 : i32
    %lt3A_56 = arith.constant 50 : i32
    %lt3A_57 = arith.cmpi slt, %add3A_55, %lt3A_56 : i32
    %convert_element_type3A_58 = arith.extui %lt3A_57 : i1 to i32
    %cond3A_59 = arith.constant 0 : i32
    %cond3A_60 = arith.cmpi ne, %convert_element_type3A_58, %cond3A_59 : i32
    scf.if %cond3A_60 {
      %mul3A_68 = arith.constant 200 : i32
      %mul3A_69 = arith.muli %add3A_55, %mul3A_68 : i32
      %multiple_of3A = tpu.assume_multiple %mul3A_69, 8 : i32
      "tpu.region"() ({
        %run_scoped3A = tpu.sem_alloc : memref<!tpu.dma_semaphore, #tpu.memory_space<semaphore_mem>>
        %dma_start3A = arith.constant 0 : i32
        %dma_start3A_79 = tpu.memref_slice %arg11[%multiple_of3A, %dma_start3A] : memref<10000x128xf32, #tpu.memory_space<vmem_shared>> -> memref<200x128xf32, #tpu.memory_space<vmem_shared>>
        %dma_start3A_80 = arith.constant 0 : i32
        %dma_start3A_81 = tpu.memref_slice %arg11[%multiple_of3A, %dma_start3A_80] : memref<10000x128xf32, #tpu.memory_space<vmem_shared>> -> memref<200x128xf32, #tpu.memory_space<vmem_shared>>
        tpu.enqueue_dma source(%dma_start3A_81 : memref<200x128xf32, #tpu.memory_space<vmem_shared>>) target(%arg10 : memref<200x128xf32, #tpu.memory_space<vmem>>) target_semaphore(%run_scoped3A : memref<!tpu.dma_semaphore, #tpu.memory_space<semaphore_mem>>)
        %dma_wait3A = arith.constant 0 : i32
        %dma_wait3A_82 = tpu.memref_slice %arg11[%multiple_of3A, %dma_wait3A] : memref<10000x128xf32, #tpu.memory_space<vmem_shared>> -> memref<200x128xf32, #tpu.memory_space<vmem_shared>>
        %dma_wait3A_83 = arith.constant 0 : i32
        %dma_wait3A_84 = tpu.memref_slice %arg11[%multiple_of3A, %dma_wait3A_83] : memref<10000x128xf32, #tpu.memory_space<vmem_shared>> -> memref<200x128xf32, #tpu.memory_space<vmem_shared>>
        tpu.wait_dma2 semaphore(%run_scoped3A : memref<!tpu.dma_semaphore, #tpu.memory_space<semaphore_mem>>) src(%dma_wait3A_84 : memref<200x128xf32, #tpu.memory_space<vmem_shared>>) dst(%arg10 : memref<200x128xf32, #tpu.memory_space<vmem>>)
        tpu.yield
      }) : () -> ()
      %eq3A = arith.constant 0 : i32
      %eq3A_70 = arith.cmpi eq, %arg0, %eq3A : i32
      %convert_element_type3A_71 = arith.extui %eq3A_70 : i1 to i32
      %cond3A_72 = arith.constant 0 : i32
      %cond3A_73 = arith.cmpi ne, %convert_element_type3A_71, %cond3A_72 : i32
      scf.if %cond3A_73 {
        "tpu.region"() ({
          %run_scoped3A = tpu.sem_alloc : memref<!tpu.dma_semaphore, #tpu.memory_space<semaphore_mem>>
          %dma_start3A = arith.constant 0 : i32
          %dma_start3A_79 = tpu.memref_slice %arg5[%multiple_of3A, %dma_start3A] : memref<10000x128xf32, #tpu.memory_space<hbm>> -> memref<200x128xf32, #tpu.memory_space<hbm>>
          %dma_start3A_80 = arith.constant 0 : i32
          %dma_start3A_81 = tpu.memref_slice %arg5[%multiple_of3A, %dma_start3A_80] : memref<10000x128xf32, #tpu.memory_space<hbm>> -> memref<200x128xf32, #tpu.memory_space<hbm>>
          tpu.enqueue_dma source(%arg10 : memref<200x128xf32, #tpu.memory_space<vmem>>) target(%dma_start3A_81 : memref<200x128xf32, #tpu.memory_space<hbm>>) target_semaphore(%run_scoped3A : memref<!tpu.dma_semaphore, #tpu.memory_space<semaphore_mem>>)
          %dma_wait3A = arith.constant 0 : i32
          %dma_wait3A_82 = tpu.memref_slice %arg5[%multiple_of3A, %dma_wait3A] : memref<10000x128xf32, #tpu.memory_space<hbm>> -> memref<200x128xf32, #tpu.memory_space<hbm>>
          %dma_wait3A_83 = arith.constant 0 : i32
          %dma_wait3A_84 = tpu.memref_slice %arg5[%multiple_of3A, %dma_wait3A_83] : memref<10000x128xf32, #tpu.memory_space<hbm>> -> memref<200x128xf32, #tpu.memory_space<hbm>>
          tpu.wait_dma2 semaphore(%run_scoped3A : memref<!tpu.dma_semaphore, #tpu.memory_space<semaphore_mem>>) src(%arg10 : memref<200x128xf32, #tpu.memory_space<vmem>>) dst(%dma_wait3A_84 : memref<200x128xf32, #tpu.memory_space<hbm>>)
          tpu.yield
        }) : () -> ()
      } else {
      }
      %eq3A_74 = arith.constant 1 : i32
      %eq3A_75 = arith.cmpi eq, %arg0, %eq3A_74 : i32
      %convert_element_type3A_76 = arith.extui %eq3A_75 : i1 to i32
      %cond3A_77 = arith.constant 0 : i32
      %cond3A_78 = arith.cmpi ne, %convert_element_type3A_76, %cond3A_77 : i32
      scf.if %cond3A_78 {
        "tpu.region"() ({
          %run_scoped3A = tpu.sem_alloc : memref<!tpu.dma_semaphore, #tpu.memory_space<semaphore_mem>>
          %dma_start3A = arith.constant 0 : i32
          %dma_start3A_79 = tpu.memref_slice %arg6[%multiple_of3A, %dma_start3A] : memref<10000x128xf32, #tpu.memory_space<hbm>> -> memref<200x128xf32, #tpu.memory_space<hbm>>
          %dma_start3A_80 = arith.constant 0 : i32
          %dma_start3A_81 = tpu.memref_slice %arg6[%multiple_of3A, %dma_start3A_80] : memref<10000x128xf32, #tpu.memory_space<hbm>> -> memref<200x128xf32, #tpu.memory_space<hbm>>
          tpu.enqueue_dma source(%arg10 : memref<200x128xf32, #tpu.memory_space<vmem>>) target(%dma_start3A_81 : memref<200x128xf32, #tpu.memory_space<hbm>>) target_semaphore(%run_scoped3A : memref<!tpu.dma_semaphore, #tpu.memory_space<semaphore_mem>>)
          %dma_wait3A = arith.constant 0 : i32
          %dma_wait3A_82 = tpu.memref_slice %arg6[%multiple_of3A, %dma_wait3A] : memref<10000x128xf32, #tpu.memory_space<hbm>> -> memref<200x128xf32, #tpu.memory_space<hbm>>
          %dma_wait3A_83 = arith.constant 0 : i32
          %dma_wait3A_84 = tpu.memref_slice %arg6[%multiple_of3A, %dma_wait3A_83] : memref<10000x128xf32, #tpu.memory_space<hbm>> -> memref<200x128xf32, #tpu.memory_space<hbm>>
          tpu.wait_dma2 semaphore(%run_scoped3A : memref<!tpu.dma_semaphore, #tpu.memory_space<semaphore_mem>>) src(%arg10 : memref<200x128xf32, #tpu.memory_space<vmem>>) dst(%dma_wait3A_84 : memref<200x128xf32, #tpu.memory_space<hbm>>)
          tpu.yield
        }) : () -> ()
      } else {
      }
    } else {
    }
    %add3A_61 = arith.constant 48 : i32
    %add3A_62 = arith.addi %arg1, %add3A_61 : i32
    %lt3A_63 = arith.constant 50 : i32
    %lt3A_64 = arith.cmpi slt, %add3A_62, %lt3A_63 : i32
    %convert_element_type3A_65 = arith.extui %lt3A_64 : i1 to i32
    %cond3A_66 = arith.constant 0 : i32
    %cond3A_67 = arith.cmpi ne, %convert_element_type3A_65, %cond3A_66 : i32
    scf.if %cond3A_67 {
      %mul3A_68 = arith.constant 200 : i32
      %mul3A_69 = arith.muli %add3A_62, %mul3A_68 : i32
      %multiple_of3A = tpu.assume_multiple %mul3A_69, 8 : i32
      "tpu.region"() ({
        %run_scoped3A = tpu.sem_alloc : memref<!tpu.dma_semaphore, #tpu.memory_space<semaphore_mem>>
        %dma_start3A = arith.constant 0 : i32
        %dma_start3A_79 = tpu.memref_slice %arg11[%multiple_of3A, %dma_start3A] : memref<10000x128xf32, #tpu.memory_space<vmem_shared>> -> memref<200x128xf32, #tpu.memory_space<vmem_shared>>
        %dma_start3A_80 = arith.constant 0 : i32
        %dma_start3A_81 = tpu.memref_slice %arg11[%multiple_of3A, %dma_start3A_80] : memref<10000x128xf32, #tpu.memory_space<vmem_shared>> -> memref<200x128xf32, #tpu.memory_space<vmem_shared>>
        tpu.enqueue_dma source(%dma_start3A_81 : memref<200x128xf32, #tpu.memory_space<vmem_shared>>) target(%arg10 : memref<200x128xf32, #tpu.memory_space<vmem>>) target_semaphore(%run_scoped3A : memref<!tpu.dma_semaphore, #tpu.memory_space<semaphore_mem>>)
        %dma_wait3A = arith.constant 0 : i32
        %dma_wait3A_82 = tpu.memref_slice %arg11[%multiple_of3A, %dma_wait3A] : memref<10000x128xf32, #tpu.memory_space<vmem_shared>> -> memref<200x128xf32, #tpu.memory_space<vmem_shared>>
        %dma_wait3A_83 = arith.constant 0 : i32
        %dma_wait3A_84 = tpu.memref_slice %arg11[%multiple_of3A, %dma_wait3A_83] : memref<10000x128xf32, #tpu.memory_space<vmem_shared>> -> memref<200x128xf32, #tpu.memory_space<vmem_shared>>
        tpu.wait_dma2 semaphore(%run_scoped3A : memref<!tpu.dma_semaphore, #tpu.memory_space<semaphore_mem>>) src(%dma_wait3A_84 : memref<200x128xf32, #tpu.memory_space<vmem_shared>>) dst(%arg10 : memref<200x128xf32, #tpu.memory_space<vmem>>)
        tpu.yield
      }) : () -> ()
      %eq3A = arith.constant 0 : i32
      %eq3A_70 = arith.cmpi eq, %arg0, %eq3A : i32
      %convert_element_type3A_71 = arith.extui %eq3A_70 : i1 to i32
      %cond3A_72 = arith.constant 0 : i32
      %cond3A_73 = arith.cmpi ne, %convert_element_type3A_71, %cond3A_72 : i32
      scf.if %cond3A_73 {
        "tpu.region"() ({
          %run_scoped3A = tpu.sem_alloc : memref<!tpu.dma_semaphore, #tpu.memory_space<semaphore_mem>>
          %dma_start3A = arith.constant 0 : i32
          %dma_start3A_79 = tpu.memref_slice %arg5[%multiple_of3A, %dma_start3A] : memref<10000x128xf32, #tpu.memory_space<hbm>> -> memref<200x128xf32, #tpu.memory_space<hbm>>
          %dma_start3A_80 = arith.constant 0 : i32
          %dma_start3A_81 = tpu.memref_slice %arg5[%multiple_of3A, %dma_start3A_80] : memref<10000x128xf32, #tpu.memory_space<hbm>> -> memref<200x128xf32, #tpu.memory_space<hbm>>
          tpu.enqueue_dma source(%arg10 : memref<200x128xf32, #tpu.memory_space<vmem>>) target(%dma_start3A_81 : memref<200x128xf32, #tpu.memory_space<hbm>>) target_semaphore(%run_scoped3A : memref<!tpu.dma_semaphore, #tpu.memory_space<semaphore_mem>>)
          %dma_wait3A = arith.constant 0 : i32
          %dma_wait3A_82 = tpu.memref_slice %arg5[%multiple_of3A, %dma_wait3A] : memref<10000x128xf32, #tpu.memory_space<hbm>> -> memref<200x128xf32, #tpu.memory_space<hbm>>
          %dma_wait3A_83 = arith.constant 0 : i32
          %dma_wait3A_84 = tpu.memref_slice %arg5[%multiple_of3A, %dma_wait3A_83] : memref<10000x128xf32, #tpu.memory_space<hbm>> -> memref<200x128xf32, #tpu.memory_space<hbm>>
          tpu.wait_dma2 semaphore(%run_scoped3A : memref<!tpu.dma_semaphore, #tpu.memory_space<semaphore_mem>>) src(%arg10 : memref<200x128xf32, #tpu.memory_space<vmem>>) dst(%dma_wait3A_84 : memref<200x128xf32, #tpu.memory_space<hbm>>)
          tpu.yield
        }) : () -> ()
      } else {
      }
      %eq3A_74 = arith.constant 1 : i32
      %eq3A_75 = arith.cmpi eq, %arg0, %eq3A_74 : i32
      %convert_element_type3A_76 = arith.extui %eq3A_75 : i1 to i32
      %cond3A_77 = arith.constant 0 : i32
      %cond3A_78 = arith.cmpi ne, %convert_element_type3A_76, %cond3A_77 : i32
      scf.if %cond3A_78 {
        "tpu.region"() ({
          %run_scoped3A = tpu.sem_alloc : memref<!tpu.dma_semaphore, #tpu.memory_space<semaphore_mem>>
          %dma_start3A = arith.constant 0 : i32
          %dma_start3A_79 = tpu.memref_slice %arg6[%multiple_of3A, %dma_start3A] : memref<10000x128xf32, #tpu.memory_space<hbm>> -> memref<200x128xf32, #tpu.memory_space<hbm>>
          %dma_start3A_80 = arith.constant 0 : i32
          %dma_start3A_81 = tpu.memref_slice %arg6[%multiple_of3A, %dma_start3A_80] : memref<10000x128xf32, #tpu.memory_space<hbm>> -> memref<200x128xf32, #tpu.memory_space<hbm>>
          tpu.enqueue_dma source(%arg10 : memref<200x128xf32, #tpu.memory_space<vmem>>) target(%dma_start3A_81 : memref<200x128xf32, #tpu.memory_space<hbm>>) target_semaphore(%run_scoped3A : memref<!tpu.dma_semaphore, #tpu.memory_space<semaphore_mem>>)
          %dma_wait3A = arith.constant 0 : i32
          %dma_wait3A_82 = tpu.memref_slice %arg6[%multiple_of3A, %dma_wait3A] : memref<10000x128xf32, #tpu.memory_space<hbm>> -> memref<200x128xf32, #tpu.memory_space<hbm>>
          %dma_wait3A_83 = arith.constant 0 : i32
          %dma_wait3A_84 = tpu.memref_slice %arg6[%multiple_of3A, %dma_wait3A_83] : memref<10000x128xf32, #tpu.memory_space<hbm>> -> memref<200x128xf32, #tpu.memory_space<hbm>>
          tpu.wait_dma2 semaphore(%run_scoped3A : memref<!tpu.dma_semaphore, #tpu.memory_space<semaphore_mem>>) src(%arg10 : memref<200x128xf32, #tpu.memory_space<vmem>>) dst(%dma_wait3A_84 : memref<200x128xf32, #tpu.memory_space<hbm>>)
          tpu.yield
        }) : () -> ()
      } else {
      }
    } else {
    }
    return
  }
}

#map = affine_map<(d0, d1) -> (0, 0)>
#map1 = affine_map<(d0, d1) -> (0)>
module attributes {stable_mosaic.version = 14 : i64} {
  func.func @k(%arg0: i32, %arg1: i32, %arg2: memref<10000x128xf32, #tpu.memory_space<hbm>>, %arg3: memref<320000xi32, #tpu.memory_space<hbm>>, %arg4: memref<320000xi32, #tpu.memory_space<hbm>>, %arg5: memref<10000x128xf32, #tpu.memory_space<hbm>>, %arg6: memref<10000x128xf32, #tpu.memory_space<hbm>>, %arg7: memref<80xi32, #tpu.memory_space<vmem>>, %arg8: memref<80xi32, #tpu.memory_space<vmem>>, %arg9: memref<80x128xf32, #tpu.memory_space<vmem>>, %arg10: memref<200x128xf32, #tpu.memory_space<vmem>>, %arg11: memref<10000x128xf32, #tpu.memory_space<vmem_shared>>, %arg12: memref<!tpu.dma_semaphore, #tpu.memory_space<semaphore_mem>>) attributes {dimension_semantics = [#tpu.dimension_semantics<core_parallel>, #tpu.dimension_semantics<subcore_parallel>], iteration_bounds = array<i64: 2, 16>, scalar_prefetch = 0 : i64, scratch_operands = 6 : i64, tpu.core_type = #tpu.core_type<sc_vector_subcore>, window_params = [{transform_indices = #map}, {transform_indices = #map1}, {transform_indices = #map1}, {transform_indices = #map}, {transform_indices = #map}]} {
    %mul3A = arith.constant 16 : i32
    %mul3A_0 = arith.muli %arg0, %mul3A : i32
    %add3A = arith.addi %mul3A_0, %arg1 : i32
    %scan3A = arith.constant 0 : i32
    %scan3A_1 = arith.constant 0 : i32
    %scan3A_2 = arith.constant 200 : i32
    %scan3A_3 = arith.addi %scan3A_1, %scan3A_2 : i32
    %scan3A_4 = arith.constant 1 : i32
    scf.for %scan3A_68 = %scan3A_1 to %scan3A_3 step %scan3A_4  : i32 {
      %scan3A_69 = arith.constant 0 : i32
      %scan3A_70 = arith.constant 8 : i32
      %scan3A_71 = arith.addi %scan3A_69, %scan3A_70 : i32
      %scan3A_72 = arith.constant 1 : i32
      scf.for %scan3A_74 = %scan3A_69 to %scan3A_71 step %scan3A_72  : i32 {
        %broadcast_in_dim3A = arith.constant 0.000000e+00 : f32
        %broadcast_in_dim3A_75 = vector.broadcast %broadcast_in_dim3A : f32 to vector<16xf32>
        %mul3A_76 = arith.constant 16 : i32
        %mul3A_77 = arith.muli %scan3A_74, %mul3A_76 : i32
        %swap3A = arith.index_cast %scan3A_68 : i32 to index
        %swap3A_78 = arith.index_cast %mul3A_77 : i32 to index
        %swap3A_79 = tpu.vector_load %arg10[%swap3A, %swap3A_78] {strides = array<i32>} : memref<200x128xf32, #tpu.memory_space<vmem>>, vector<1x16xf32>,
        %swap3A_80 = vector.shape_cast %swap3A_79 : vector<1x16xf32> to vector<16xf32>
        %swap3A_81 = vector.shape_cast %broadcast_in_dim3A_75 : vector<16xf32> to vector<1x16xf32>
        tpu.vector_store %arg10[%swap3A, %swap3A_78], %swap3A_81 {strides = array<i32>} : memref<200x128xf32, #tpu.memory_space<vmem>>, vector<1x16xf32>,
      }
      %scan3A_73 = arith.constant 8 : i32
    }
    %scan3A_5 = arith.constant 200 : i32
    %add3A_6 = arith.constant 0 : i32
    %add3A_7 = arith.addi %arg1, %add3A_6 : i32
    %lt3A = arith.constant 50 : i32
    %lt3A_8 = arith.cmpi slt, %add3A_7, %lt3A : i32
    %convert_element_type3A = arith.extui %lt3A_8 : i1 to i32
    %cond3A = arith.constant 0 : i32
    %cond3A_9 = arith.cmpi ne, %convert_element_type3A, %cond3A : i32
    scf.if %cond3A_9 {
      %mul3A_68 = arith.constant 200 : i32
      %mul3A_69 = arith.muli %add3A_7, %mul3A_68 : i32
      %multiple_of3A = tpu.assume_multiple %mul3A_69, 8 : i32
      "tpu.region"() ({
        %run_scoped3A = tpu.sem_alloc : memref<!tpu.dma_semaphore, #tpu.memory_space<semaphore_mem>>
        %dma_start3A = arith.constant 0 : i32
        %dma_start3A_70 = tpu.memref_slice %arg11[%multiple_of3A, %dma_start3A] : memref<10000x128xf32, #tpu.memory_space<vmem_shared>> -> memref<200x128xf32, #tpu.memory_space<vmem_shared>>
        %dma_start3A_71 = arith.constant 0 : i32
        %dma_start3A_72 = tpu.memref_slice %arg11[%multiple_of3A, %dma_start3A_71] : memref<10000x128xf32, #tpu.memory_space<vmem_shared>> -> memref<200x128xf32, #tpu.memory_space<vmem_shared>>
        tpu.enqueue_dma source(%arg10 : memref<200x128xf32, #tpu.memory_space<vmem>>) target(%dma_start3A_72 : memref<200x128xf32, #tpu.memory_space<vmem_shared>>) target_semaphore(%run_scoped3A : memref<!tpu.dma_semaphore, #tpu.memory_space<semaphore_mem>>)
        %dma_wait3A = arith.constant 0 : i32
        %dma_wait3A_73 = tpu.memref_slice %arg11[%multiple_of3A, %dma_wait3A] : memref<10000x128xf32, #tpu.memory_space<vmem_shared>> -> memref<200x128xf32, #tpu.memory_space<vmem_shared>>
        %dma_wait3A_74 = arith.constant 0 : i32
        %dma_wait3A_75 = tpu.memref_slice %arg11[%multiple_of3A, %dma_wait3A_74] : memref<10000x128xf32, #tpu.memory_space<vmem_shared>> -> memref<200x128xf32, #tpu.memory_space<vmem_shared>>
        tpu.wait_dma2 semaphore(%run_scoped3A : memref<!tpu.dma_semaphore, #tpu.memory_space<semaphore_mem>>) src(%arg10 : memref<200x128xf32, #tpu.memory_space<vmem>>) dst(%dma_wait3A_75 : memref<200x128xf32, #tpu.memory_space<vmem_shared>>)
        tpu.yield
      }) : () -> ()
    } else {
    }
    %add3A_10 = arith.constant 16 : i32
    %add3A_11 = arith.addi %arg1, %add3A_10 : i32
    %lt3A_12 = arith.constant 50 : i32
    %lt3A_13 = arith.cmpi slt, %add3A_11, %lt3A_12 : i32
    %convert_element_type3A_14 = arith.extui %lt3A_13 : i1 to i32
    %cond3A_15 = arith.constant 0 : i32
    %cond3A_16 = arith.cmpi ne, %convert_element_type3A_14, %cond3A_15 : i32
    scf.if %cond3A_16 {
      %mul3A_68 = arith.constant 200 : i32
      %mul3A_69 = arith.muli %add3A_11, %mul3A_68 : i32
      %multiple_of3A = tpu.assume_multiple %mul3A_69, 8 : i32
      "tpu.region"() ({
        %run_scoped3A = tpu.sem_alloc : memref<!tpu.dma_semaphore, #tpu.memory_space<semaphore_mem>>
        %dma_start3A = arith.constant 0 : i32
        %dma_start3A_70 = tpu.memref_slice %arg11[%multiple_of3A, %dma_start3A] : memref<10000x128xf32, #tpu.memory_space<vmem_shared>> -> memref<200x128xf32, #tpu.memory_space<vmem_shared>>
        %dma_start3A_71 = arith.constant 0 : i32
        %dma_start3A_72 = tpu.memref_slice %arg11[%multiple_of3A, %dma_start3A_71] : memref<10000x128xf32, #tpu.memory_space<vmem_shared>> -> memref<200x128xf32, #tpu.memory_space<vmem_shared>>
        tpu.enqueue_dma source(%arg10 : memref<200x128xf32, #tpu.memory_space<vmem>>) target(%dma_start3A_72 : memref<200x128xf32, #tpu.memory_space<vmem_shared>>) target_semaphore(%run_scoped3A : memref<!tpu.dma_semaphore, #tpu.memory_space<semaphore_mem>>)
        %dma_wait3A = arith.constant 0 : i32
        %dma_wait3A_73 = tpu.memref_slice %arg11[%multiple_of3A, %dma_wait3A] : memref<10000x128xf32, #tpu.memory_space<vmem_shared>> -> memref<200x128xf32, #tpu.memory_space<vmem_shared>>
        %dma_wait3A_74 = arith.constant 0 : i32
        %dma_wait3A_75 = tpu.memref_slice %arg11[%multiple_of3A, %dma_wait3A_74] : memref<10000x128xf32, #tpu.memory_space<vmem_shared>> -> memref<200x128xf32, #tpu.memory_space<vmem_shared>>
        tpu.wait_dma2 semaphore(%run_scoped3A : memref<!tpu.dma_semaphore, #tpu.memory_space<semaphore_mem>>) src(%arg10 : memref<200x128xf32, #tpu.memory_space<vmem>>) dst(%dma_wait3A_75 : memref<200x128xf32, #tpu.memory_space<vmem_shared>>)
        tpu.yield
      }) : () -> ()
    } else {
    }
    %add3A_17 = arith.constant 32 : i32
    %add3A_18 = arith.addi %arg1, %add3A_17 : i32
    %lt3A_19 = arith.constant 50 : i32
    %lt3A_20 = arith.cmpi slt, %add3A_18, %lt3A_19 : i32
    %convert_element_type3A_21 = arith.extui %lt3A_20 : i1 to i32
    %cond3A_22 = arith.constant 0 : i32
    %cond3A_23 = arith.cmpi ne, %convert_element_type3A_21, %cond3A_22 : i32
    scf.if %cond3A_23 {
      %mul3A_68 = arith.constant 200 : i32
      %mul3A_69 = arith.muli %add3A_18, %mul3A_68 : i32
      %multiple_of3A = tpu.assume_multiple %mul3A_69, 8 : i32
      "tpu.region"() ({
        %run_scoped3A = tpu.sem_alloc : memref<!tpu.dma_semaphore, #tpu.memory_space<semaphore_mem>>
        %dma_start3A = arith.constant 0 : i32
        %dma_start3A_70 = tpu.memref_slice %arg11[%multiple_of3A, %dma_start3A] : memref<10000x128xf32, #tpu.memory_space<vmem_shared>> -> memref<200x128xf32, #tpu.memory_space<vmem_shared>>
        %dma_start3A_71 = arith.constant 0 : i32
        %dma_start3A_72 = tpu.memref_slice %arg11[%multiple_of3A, %dma_start3A_71] : memref<10000x128xf32, #tpu.memory_space<vmem_shared>> -> memref<200x128xf32, #tpu.memory_space<vmem_shared>>
        tpu.enqueue_dma source(%arg10 : memref<200x128xf32, #tpu.memory_space<vmem>>) target(%dma_start3A_72 : memref<200x128xf32, #tpu.memory_space<vmem_shared>>) target_semaphore(%run_scoped3A : memref<!tpu.dma_semaphore, #tpu.memory_space<semaphore_mem>>)
        %dma_wait3A = arith.constant 0 : i32
        %dma_wait3A_73 = tpu.memref_slice %arg11[%multiple_of3A, %dma_wait3A] : memref<10000x128xf32, #tpu.memory_space<vmem_shared>> -> memref<200x128xf32, #tpu.memory_space<vmem_shared>>
        %dma_wait3A_74 = arith.constant 0 : i32
        %dma_wait3A_75 = tpu.memref_slice %arg11[%multiple_of3A, %dma_wait3A_74] : memref<10000x128xf32, #tpu.memory_space<vmem_shared>> -> memref<200x128xf32, #tpu.memory_space<vmem_shared>>
        tpu.wait_dma2 semaphore(%run_scoped3A : memref<!tpu.dma_semaphore, #tpu.memory_space<semaphore_mem>>) src(%arg10 : memref<200x128xf32, #tpu.memory_space<vmem>>) dst(%dma_wait3A_75 : memref<200x128xf32, #tpu.memory_space<vmem_shared>>)
        tpu.yield
      }) : () -> ()
    } else {
    }
    %add3A_24 = arith.constant 48 : i32
    %add3A_25 = arith.addi %arg1, %add3A_24 : i32
    %lt3A_26 = arith.constant 50 : i32
    %lt3A_27 = arith.cmpi slt, %add3A_25, %lt3A_26 : i32
    %convert_element_type3A_28 = arith.extui %lt3A_27 : i1 to i32
    %cond3A_29 = arith.constant 0 : i32
    %cond3A_30 = arith.cmpi ne, %convert_element_type3A_28, %cond3A_29 : i32
    scf.if %cond3A_30 {
      %mul3A_68 = arith.constant 200 : i32
      %mul3A_69 = arith.muli %add3A_25, %mul3A_68 : i32
      %multiple_of3A = tpu.assume_multiple %mul3A_69, 8 : i32
      "tpu.region"() ({
        %run_scoped3A = tpu.sem_alloc : memref<!tpu.dma_semaphore, #tpu.memory_space<semaphore_mem>>
        %dma_start3A = arith.constant 0 : i32
        %dma_start3A_70 = tpu.memref_slice %arg11[%multiple_of3A, %dma_start3A] : memref<10000x128xf32, #tpu.memory_space<vmem_shared>> -> memref<200x128xf32, #tpu.memory_space<vmem_shared>>
        %dma_start3A_71 = arith.constant 0 : i32
        %dma_start3A_72 = tpu.memref_slice %arg11[%multiple_of3A, %dma_start3A_71] : memref<10000x128xf32, #tpu.memory_space<vmem_shared>> -> memref<200x128xf32, #tpu.memory_space<vmem_shared>>
        tpu.enqueue_dma source(%arg10 : memref<200x128xf32, #tpu.memory_space<vmem>>) target(%dma_start3A_72 : memref<200x128xf32, #tpu.memory_space<vmem_shared>>) target_semaphore(%run_scoped3A : memref<!tpu.dma_semaphore, #tpu.memory_space<semaphore_mem>>)
        %dma_wait3A = arith.constant 0 : i32
        %dma_wait3A_73 = tpu.memref_slice %arg11[%multiple_of3A, %dma_wait3A] : memref<10000x128xf32, #tpu.memory_space<vmem_shared>> -> memref<200x128xf32, #tpu.memory_space<vmem_shared>>
        %dma_wait3A_74 = arith.constant 0 : i32
        %dma_wait3A_75 = tpu.memref_slice %arg11[%multiple_of3A, %dma_wait3A_74] : memref<10000x128xf32, #tpu.memory_space<vmem_shared>> -> memref<200x128xf32, #tpu.memory_space<vmem_shared>>
        tpu.wait_dma2 semaphore(%run_scoped3A : memref<!tpu.dma_semaphore, #tpu.memory_space<semaphore_mem>>) src(%arg10 : memref<200x128xf32, #tpu.memory_space<vmem>>) dst(%dma_wait3A_75 : memref<200x128xf32, #tpu.memory_space<vmem_shared>>)
        tpu.yield
      }) : () -> ()
    } else {
    }
    %barrier3A = arith.constant 0 : index
    tpu.barrier barrier_id(%barrier3A)
    %mul3A_31 = arith.constant 10000 : i32
    %mul3A_32 = arith.muli %add3A, %mul3A_31 : i32
    %scan3A_33 = arith.constant 0 : i32
    %scan3A_34 = arith.constant 0 : i32
    %scan3A_35 = arith.constant 125 : i32
    %scan3A_36 = arith.addi %scan3A_34, %scan3A_35 : i32
    %scan3A_37 = arith.constant 1 : i32
    scf.for %scan3A_68 = %scan3A_34 to %scan3A_36 step %scan3A_37  : i32 {
      %mul3A_69 = arith.constant 80 : i32
      %mul3A_70 = arith.muli %scan3A_68, %mul3A_69 : i32
      %add3A_71 = arith.addi %mul3A_32, %mul3A_70 : i32
      %multiple_of3A = tpu.assume_multiple %add3A_71, 8 : i32
      "tpu.region"() ({
        %run_scoped3A = tpu.sem_alloc : memref<!tpu.dma_semaphore, #tpu.memory_space<semaphore_mem>>
        %dma_start3A_76 = tpu.memref_slice %arg3[%multiple_of3A] : memref<320000xi32, #tpu.memory_space<hbm>> -> memref<80xi32, #tpu.memory_space<hbm>>
        %dma_start3A_77 = tpu.memref_slice %arg3[%multiple_of3A] : memref<320000xi32, #tpu.memory_space<hbm>> -> memref<80xi32, #tpu.memory_space<hbm>>
        tpu.enqueue_dma source(%dma_start3A_77 : memref<80xi32, #tpu.memory_space<hbm>>) target(%arg7 : memref<80xi32, #tpu.memory_space<vmem>>) target_semaphore(%run_scoped3A : memref<!tpu.dma_semaphore, #tpu.memory_space<semaphore_mem>>)
        %dma_wait3A_78 = tpu.memref_slice %arg3[%multiple_of3A] : memref<320000xi32, #tpu.memory_space<hbm>> -> memref<80xi32, #tpu.memory_space<hbm>>
        %dma_wait3A_79 = tpu.memref_slice %arg3[%multiple_of3A] : memref<320000xi32, #tpu.memory_space<hbm>> -> memref<80xi32, #tpu.memory_space<hbm>>
        tpu.wait_dma2 semaphore(%run_scoped3A : memref<!tpu.dma_semaphore, #tpu.memory_space<semaphore_mem>>) src(%dma_wait3A_79 : memref<80xi32, #tpu.memory_space<hbm>>) dst(%arg7 : memref<80xi32, #tpu.memory_space<vmem>>)
        tpu.yield
      }) : () -> ()
      "tpu.region"() ({
        %run_scoped3A = tpu.sem_alloc : memref<!tpu.dma_semaphore, #tpu.memory_space<semaphore_mem>>
        %dma_start3A_76 = tpu.memref_slice %arg4[%multiple_of3A] : memref<320000xi32, #tpu.memory_space<hbm>> -> memref<80xi32, #tpu.memory_space<hbm>>
        %dma_start3A_77 = tpu.memref_slice %arg4[%multiple_of3A] : memref<320000xi32, #tpu.memory_space<hbm>> -> memref<80xi32, #tpu.memory_space<hbm>>
        tpu.enqueue_dma source(%dma_start3A_77 : memref<80xi32, #tpu.memory_space<hbm>>) target(%arg8 : memref<80xi32, #tpu.memory_space<vmem>>) target_semaphore(%run_scoped3A : memref<!tpu.dma_semaphore, #tpu.memory_space<semaphore_mem>>)
        %dma_wait3A_78 = tpu.memref_slice %arg4[%multiple_of3A] : memref<320000xi32, #tpu.memory_space<hbm>> -> memref<80xi32, #tpu.memory_space<hbm>>
        %dma_wait3A_79 = tpu.memref_slice %arg4[%multiple_of3A] : memref<320000xi32, #tpu.memory_space<hbm>> -> memref<80xi32, #tpu.memory_space<hbm>>
        tpu.wait_dma2 semaphore(%run_scoped3A : memref<!tpu.dma_semaphore, #tpu.memory_space<semaphore_mem>>) src(%dma_wait3A_79 : memref<80xi32, #tpu.memory_space<hbm>>) dst(%arg8 : memref<80xi32, #tpu.memory_space<vmem>>)
        tpu.yield
      }) : () -> ()
      %dma_start3A = arith.constant 0 : i32
      %dma_start3A_72 = arith.constant 0 : i32
      %dma_start3A_73 = tpu.memref_slice %arg2[%dma_start3A, %dma_start3A_72] : memref<10000x128xf32, #tpu.memory_space<hbm>> -> memref<10000x128xf32, #tpu.memory_space<hbm>>
      tpu.enqueue_indirect_dma source(%dma_start3A_73 : memref<10000x128xf32, #tpu.memory_space<hbm>>) target(%arg9 : memref<80x128xf32, #tpu.memory_space<vmem>>) offsets(%arg7 : memref<80xi32, #tpu.memory_space<vmem>>) semaphore(%arg12 : memref<!tpu.dma_semaphore, #tpu.memory_space<semaphore_mem>>)
      %dma_wait3A = arith.constant 0 : i32
      %dma_wait3A_74 = arith.constant 0 : i32
      %dma_wait3A_75 = tpu.memref_slice %arg2[%dma_wait3A, %dma_wait3A_74] : memref<10000x128xf32, #tpu.memory_space<hbm>> -> memref<10000x128xf32, #tpu.memory_space<hbm>>
      tpu.wait_indirect_dma semaphore(%arg12 : memref<!tpu.dma_semaphore, #tpu.memory_space<semaphore_mem>>) src(%dma_wait3A_75 : memref<10000x128xf32, #tpu.memory_space<hbm>>) dst(%arg9 : memref<80x128xf32, #tpu.memory_space<vmem>>)
      "tpu.region"() ({
        %run_scoped3A = tpu.sem_alloc : memref<!tpu.dma_semaphore, #tpu.memory_space<semaphore_mem>>
        %dma_start3A_76 = arith.constant 0 : i32
        %dma_start3A_77 = arith.constant 0 : i32
        %dma_start3A_78 = tpu.memref_slice %arg11[%dma_start3A_76, %dma_start3A_77] : memref<10000x128xf32, #tpu.memory_space<vmem_shared>> -> memref<10000x128xf32, #tpu.memory_space<vmem_shared>>
        tpu.enqueue_indirect_dma source(%arg9 : memref<80x128xf32, #tpu.memory_space<vmem>>) target(%dma_start3A_78 : memref<10000x128xf32, #tpu.memory_space<vmem_shared>>) offsets(%arg8 : memref<80xi32, #tpu.memory_space<vmem>>) semaphore(%run_scoped3A : memref<!tpu.dma_semaphore, #tpu.memory_space<semaphore_mem>>) {add = true}
        %dma_wait3A_79 = arith.constant 0 : i32
        %dma_wait3A_80 = arith.constant 0 : i32
        %dma_wait3A_81 = tpu.memref_slice %arg11[%dma_wait3A_79, %dma_wait3A_80] : memref<10000x128xf32, #tpu.memory_space<vmem_shared>> -> memref<10000x128xf32, #tpu.memory_space<vmem_shared>>
        tpu.wait_indirect_dma semaphore(%run_scoped3A : memref<!tpu.dma_semaphore, #tpu.memory_space<semaphore_mem>>) src(%arg9 : memref<80x128xf32, #tpu.memory_space<vmem>>) dst(%dma_wait3A_81 : memref<10000x128xf32, #tpu.memory_space<vmem_shared>>)
        tpu.yield
      }) : () -> ()
    }
    %scan3A_38 = arith.constant 125 : i32
    %barrier3A_39 = arith.constant 0 : index
    tpu.barrier barrier_id(%barrier3A_39)
    %add3A_40 = arith.constant 0 : i32
    %add3A_41 = arith.addi %arg1, %add3A_40 : i32
    %lt3A_42 = arith.constant 50 : i32
    %lt3A_43 = arith.cmpi slt, %add3A_41, %lt3A_42 : i32
    %convert_element_type3A_44 = arith.extui %lt3A_43 : i1 to i32
    %cond3A_45 = arith.constant 0 : i32
    %cond3A_46 = arith.cmpi ne, %convert_element_type3A_44, %cond3A_45 : i32
    scf.if %cond3A_46 {
      %mul3A_68 = arith.constant 200 : i32
      %mul3A_69 = arith.muli %add3A_41, %mul3A_68 : i32
      %multiple_of3A = tpu.assume_multiple %mul3A_69, 8 : i32
      "tpu.region"() ({
        %run_scoped3A = tpu.sem_alloc : memref<!tpu.dma_semaphore, #tpu.memory_space<semaphore_mem>>
        %dma_start3A = arith.constant 0 : i32
        %dma_start3A_79 = tpu.memref_slice %arg11[%multiple_of3A, %dma_start3A] : memref<10000x128xf32, #tpu.memory_space<vmem_shared>> -> memref<200x128xf32, #tpu.memory_space<vmem_shared>>
        %dma_start3A_80 = arith.constant 0 : i32
        %dma_start3A_81 = tpu.memref_slice %arg11[%multiple_of3A, %dma_start3A_80] : memref<10000x128xf32, #tpu.memory_space<vmem_shared>> -> memref<200x128xf32, #tpu.memory_space<vmem_shared>>
        tpu.enqueue_dma source(%dma_start3A_81 : memref<200x128xf32, #tpu.memory_space<vmem_shared>>) target(%arg10 : memref<200x128xf32, #tpu.memory_space<vmem>>) target_semaphore(%run_scoped3A : memref<!tpu.dma_semaphore, #tpu.memory_space<semaphore_mem>>)
        %dma_wait3A = arith.constant 0 : i32
        %dma_wait3A_82 = tpu.memref_slice %arg11[%multiple_of3A, %dma_wait3A] : memref<10000x128xf32, #tpu.memory_space<vmem_shared>> -> memref<200x128xf32, #tpu.memory_space<vmem_shared>>
        %dma_wait3A_83 = arith.constant 0 : i32
        %dma_wait3A_84 = tpu.memref_slice %arg11[%multiple_of3A, %dma_wait3A_83] : memref<10000x128xf32, #tpu.memory_space<vmem_shared>> -> memref<200x128xf32, #tpu.memory_space<vmem_shared>>
        tpu.wait_dma2 semaphore(%run_scoped3A : memref<!tpu.dma_semaphore, #tpu.memory_space<semaphore_mem>>) src(%dma_wait3A_84 : memref<200x128xf32, #tpu.memory_space<vmem_shared>>) dst(%arg10 : memref<200x128xf32, #tpu.memory_space<vmem>>)
        tpu.yield
      }) : () -> ()
      %eq3A = arith.constant 0 : i32
      %eq3A_70 = arith.cmpi eq, %arg0, %eq3A : i32
      %convert_element_type3A_71 = arith.extui %eq3A_70 : i1 to i32
      %cond3A_72 = arith.constant 0 : i32
      %cond3A_73 = arith.cmpi ne, %convert_element_type3A_71, %cond3A_72 : i32
      scf.if %cond3A_73 {
        "tpu.region"() ({
          %run_scoped3A = tpu.sem_alloc : memref<!tpu.dma_semaphore, #tpu.memory_space<semaphore_mem>>
          %dma_start3A = arith.constant 0 : i32
          %dma_start3A_79 = tpu.memref_slice %arg5[%multiple_of3A, %dma_start3A] : memref<10000x128xf32, #tpu.memory_space<hbm>> -> memref<200x128xf32, #tpu.memory_space<hbm>>
          %dma_start3A_80 = arith.constant 0 : i32
          %dma_start3A_81 = tpu.memref_slice %arg5[%multiple_of3A, %dma_start3A_80] : memref<10000x128xf32, #tpu.memory_space<hbm>> -> memref<200x128xf32, #tpu.memory_space<hbm>>
          tpu.enqueue_dma source(%arg10 : memref<200x128xf32, #tpu.memory_space<vmem>>) target(%dma_start3A_81 : memref<200x128xf32, #tpu.memory_space<hbm>>) target_semaphore(%run_scoped3A : memref<!tpu.dma_semaphore, #tpu.memory_space<semaphore_mem>>)
          %dma_wait3A = arith.constant 0 : i32
          %dma_wait3A_82 = tpu.memref_slice %arg5[%multiple_of3A, %dma_wait3A] : memref<10000x128xf32, #tpu.memory_space<hbm>> -> memref<200x128xf32, #tpu.memory_space<hbm>>
          %dma_wait3A_83 = arith.constant 0 : i32
          %dma_wait3A_84 = tpu.memref_slice %arg5[%multiple_of3A, %dma_wait3A_83] : memref<10000x128xf32, #tpu.memory_space<hbm>> -> memref<200x128xf32, #tpu.memory_space<hbm>>
          tpu.wait_dma2 semaphore(%run_scoped3A : memref<!tpu.dma_semaphore, #tpu.memory_space<semaphore_mem>>) src(%arg10 : memref<200x128xf32, #tpu.memory_space<vmem>>) dst(%dma_wait3A_84 : memref<200x128xf32, #tpu.memory_space<hbm>>)
          tpu.yield
        }) : () -> ()
      } else {
      }
      %eq3A_74 = arith.constant 1 : i32
      %eq3A_75 = arith.cmpi eq, %arg0, %eq3A_74 : i32
      %convert_element_type3A_76 = arith.extui %eq3A_75 : i1 to i32
      %cond3A_77 = arith.constant 0 : i32
      %cond3A_78 = arith.cmpi ne, %convert_element_type3A_76, %cond3A_77 : i32
      scf.if %cond3A_78 {
        "tpu.region"() ({
          %run_scoped3A = tpu.sem_alloc : memref<!tpu.dma_semaphore, #tpu.memory_space<semaphore_mem>>
          %dma_start3A = arith.constant 0 : i32
          %dma_start3A_79 = tpu.memref_slice %arg6[%multiple_of3A, %dma_start3A] : memref<10000x128xf32, #tpu.memory_space<hbm>> -> memref<200x128xf32, #tpu.memory_space<hbm>>
          %dma_start3A_80 = arith.constant 0 : i32
          %dma_start3A_81 = tpu.memref_slice %arg6[%multiple_of3A, %dma_start3A_80] : memref<10000x128xf32, #tpu.memory_space<hbm>> -> memref<200x128xf32, #tpu.memory_space<hbm>>
          tpu.enqueue_dma source(%arg10 : memref<200x128xf32, #tpu.memory_space<vmem>>) target(%dma_start3A_81 : memref<200x128xf32, #tpu.memory_space<hbm>>) target_semaphore(%run_scoped3A : memref<!tpu.dma_semaphore, #tpu.memory_space<semaphore_mem>>)
          %dma_wait3A = arith.constant 0 : i32
          %dma_wait3A_82 = tpu.memref_slice %arg6[%multiple_of3A, %dma_wait3A] : memref<10000x128xf32, #tpu.memory_space<hbm>> -> memref<200x128xf32, #tpu.memory_space<hbm>>
          %dma_wait3A_83 = arith.constant 0 : i32
          %dma_wait3A_84 = tpu.memref_slice %arg6[%multiple_of3A, %dma_wait3A_83] : memref<10000x128xf32, #tpu.memory_space<hbm>> -> memref<200x128xf32, #tpu.memory_space<hbm>>
          tpu.wait_dma2 semaphore(%run_scoped3A : memref<!tpu.dma_semaphore, #tpu.memory_space<semaphore_mem>>) src(%arg10 : memref<200x128xf32, #tpu.memory_space<vmem>>) dst(%dma_wait3A_84 : memref<200x128xf32, #tpu.memory_space<hbm>>)
          tpu.yield
        }) : () -> ()
      } else {
      }
    } else {
    }
    %add3A_47 = arith.constant 16 : i32
    %add3A_48 = arith.addi %arg1, %add3A_47 : i32
    %lt3A_49 = arith.constant 50 : i32
    %lt3A_50 = arith.cmpi slt, %add3A_48, %lt3A_49 : i32
    %convert_element_type3A_51 = arith.extui %lt3A_50 : i1 to i32
    %cond3A_52 = arith.constant 0 : i32
    %cond3A_53 = arith.cmpi ne, %convert_element_type3A_51, %cond3A_52 : i32
    scf.if %cond3A_53 {
      %mul3A_68 = arith.constant 200 : i32
      %mul3A_69 = arith.muli %add3A_48, %mul3A_68 : i32
      %multiple_of3A = tpu.assume_multiple %mul3A_69, 8 : i32
      "tpu.region"() ({
        %run_scoped3A = tpu.sem_alloc : memref<!tpu.dma_semaphore, #tpu.memory_space<semaphore_mem>>
        %dma_start3A = arith.constant 0 : i32
        %dma_start3A_79 = tpu.memref_slice %arg11[%multiple_of3A, %dma_start3A] : memref<10000x128xf32, #tpu.memory_space<vmem_shared>> -> memref<200x128xf32, #tpu.memory_space<vmem_shared>>
        %dma_start3A_80 = arith.constant 0 : i32
        %dma_start3A_81 = tpu.memref_slice %arg11[%multiple_of3A, %dma_start3A_80] : memref<10000x128xf32, #tpu.memory_space<vmem_shared>> -> memref<200x128xf32, #tpu.memory_space<vmem_shared>>
        tpu.enqueue_dma source(%dma_start3A_81 : memref<200x128xf32, #tpu.memory_space<vmem_shared>>) target(%arg10 : memref<200x128xf32, #tpu.memory_space<vmem>>) target_semaphore(%run_scoped3A : memref<!tpu.dma_semaphore, #tpu.memory_space<semaphore_mem>>)
        %dma_wait3A = arith.constant 0 : i32
        %dma_wait3A_82 = tpu.memref_slice %arg11[%multiple_of3A, %dma_wait3A] : memref<10000x128xf32, #tpu.memory_space<vmem_shared>> -> memref<200x128xf32, #tpu.memory_space<vmem_shared>>
        %dma_wait3A_83 = arith.constant 0 : i32
        %dma_wait3A_84 = tpu.memref_slice %arg11[%multiple_of3A, %dma_wait3A_83] : memref<10000x128xf32, #tpu.memory_space<vmem_shared>> -> memref<200x128xf32, #tpu.memory_space<vmem_shared>>
        tpu.wait_dma2 semaphore(%run_scoped3A : memref<!tpu.dma_semaphore, #tpu.memory_space<semaphore_mem>>) src(%dma_wait3A_84 : memref<200x128xf32, #tpu.memory_space<vmem_shared>>) dst(%arg10 : memref<200x128xf32, #tpu.memory_space<vmem>>)
        tpu.yield
      }) : () -> ()
      %eq3A = arith.constant 0 : i32
      %eq3A_70 = arith.cmpi eq, %arg0, %eq3A : i32
      %convert_element_type3A_71 = arith.extui %eq3A_70 : i1 to i32
      %cond3A_72 = arith.constant 0 : i32
      %cond3A_73 = arith.cmpi ne, %convert_element_type3A_71, %cond3A_72 : i32
      scf.if %cond3A_73 {
        "tpu.region"() ({
          %run_scoped3A = tpu.sem_alloc : memref<!tpu.dma_semaphore, #tpu.memory_space<semaphore_mem>>
          %dma_start3A = arith.constant 0 : i32
          %dma_start3A_79 = tpu.memref_slice %arg5[%multiple_of3A, %dma_start3A] : memref<10000x128xf32, #tpu.memory_space<hbm>> -> memref<200x128xf32, #tpu.memory_space<hbm>>
          %dma_start3A_80 = arith.constant 0 : i32
          %dma_start3A_81 = tpu.memref_slice %arg5[%multiple_of3A, %dma_start3A_80] : memref<10000x128xf32, #tpu.memory_space<hbm>> -> memref<200x128xf32, #tpu.memory_space<hbm>>
          tpu.enqueue_dma source(%arg10 : memref<200x128xf32, #tpu.memory_space<vmem>>) target(%dma_start3A_81 : memref<200x128xf32, #tpu.memory_space<hbm>>) target_semaphore(%run_scoped3A : memref<!tpu.dma_semaphore, #tpu.memory_space<semaphore_mem>>)
          %dma_wait3A = arith.constant 0 : i32
          %dma_wait3A_82 = tpu.memref_slice %arg5[%multiple_of3A, %dma_wait3A] : memref<10000x128xf32, #tpu.memory_space<hbm>> -> memref<200x128xf32, #tpu.memory_space<hbm>>
          %dma_wait3A_83 = arith.constant 0 : i32
          %dma_wait3A_84 = tpu.memref_slice %arg5[%multiple_of3A, %dma_wait3A_83] : memref<10000x128xf32, #tpu.memory_space<hbm>> -> memref<200x128xf32, #tpu.memory_space<hbm>>
          tpu.wait_dma2 semaphore(%run_scoped3A : memref<!tpu.dma_semaphore, #tpu.memory_space<semaphore_mem>>) src(%arg10 : memref<200x128xf32, #tpu.memory_space<vmem>>) dst(%dma_wait3A_84 : memref<200x128xf32, #tpu.memory_space<hbm>>)
          tpu.yield
        }) : () -> ()
      } else {
      }
      %eq3A_74 = arith.constant 1 : i32
      %eq3A_75 = arith.cmpi eq, %arg0, %eq3A_74 : i32
      %convert_element_type3A_76 = arith.extui %eq3A_75 : i1 to i32
      %cond3A_77 = arith.constant 0 : i32
      %cond3A_78 = arith.cmpi ne, %convert_element_type3A_76, %cond3A_77 : i32
      scf.if %cond3A_78 {
        "tpu.region"() ({
          %run_scoped3A = tpu.sem_alloc : memref<!tpu.dma_semaphore, #tpu.memory_space<semaphore_mem>>
          %dma_start3A = arith.constant 0 : i32
          %dma_start3A_79 = tpu.memref_slice %arg6[%multiple_of3A, %dma_start3A] : memref<10000x128xf32, #tpu.memory_space<hbm>> -> memref<200x128xf32, #tpu.memory_space<hbm>>
          %dma_start3A_80 = arith.constant 0 : i32
          %dma_start3A_81 = tpu.memref_slice %arg6[%multiple_of3A, %dma_start3A_80] : memref<10000x128xf32, #tpu.memory_space<hbm>> -> memref<200x128xf32, #tpu.memory_space<hbm>>
          tpu.enqueue_dma source(%arg10 : memref<200x128xf32, #tpu.memory_space<vmem>>) target(%dma_start3A_81 : memref<200x128xf32, #tpu.memory_space<hbm>>) target_semaphore(%run_scoped3A : memref<!tpu.dma_semaphore, #tpu.memory_space<semaphore_mem>>)
          %dma_wait3A = arith.constant 0 : i32
          %dma_wait3A_82 = tpu.memref_slice %arg6[%multiple_of3A, %dma_wait3A] : memref<10000x128xf32, #tpu.memory_space<hbm>> -> memref<200x128xf32, #tpu.memory_space<hbm>>
          %dma_wait3A_83 = arith.constant 0 : i32
          %dma_wait3A_84 = tpu.memref_slice %arg6[%multiple_of3A, %dma_wait3A_83] : memref<10000x128xf32, #tpu.memory_space<hbm>> -> memref<200x128xf32, #tpu.memory_space<hbm>>
          tpu.wait_dma2 semaphore(%run_scoped3A : memref<!tpu.dma_semaphore, #tpu.memory_space<semaphore_mem>>) src(%arg10 : memref<200x128xf32, #tpu.memory_space<vmem>>) dst(%dma_wait3A_84 : memref<200x128xf32, #tpu.memory_space<hbm>>)
          tpu.yield
        }) : () -> ()
      } else {
      }
    } else {
    }
    %add3A_54 = arith.constant 32 : i32
    %add3A_55 = arith.addi %arg1, %add3A_54 : i32
    %lt3A_56 = arith.constant 50 : i32
    %lt3A_57 = arith.cmpi slt, %add3A_55, %lt3A_56 : i32
    %convert_element_type3A_58 = arith.extui %lt3A_57 : i1 to i32
    %cond3A_59 = arith.constant 0 : i32
    %cond3A_60 = arith.cmpi ne, %convert_element_type3A_58, %cond3A_59 : i32
    scf.if %cond3A_60 {
      %mul3A_68 = arith.constant 200 : i32
      %mul3A_69 = arith.muli %add3A_55, %mul3A_68 : i32
      %multiple_of3A = tpu.assume_multiple %mul3A_69, 8 : i32
      "tpu.region"() ({
        %run_scoped3A = tpu.sem_alloc : memref<!tpu.dma_semaphore, #tpu.memory_space<semaphore_mem>>
        %dma_start3A = arith.constant 0 : i32
        %dma_start3A_79 = tpu.memref_slice %arg11[%multiple_of3A, %dma_start3A] : memref<10000x128xf32, #tpu.memory_space<vmem_shared>> -> memref<200x128xf32, #tpu.memory_space<vmem_shared>>
        %dma_start3A_80 = arith.constant 0 : i32
        %dma_start3A_81 = tpu.memref_slice %arg11[%multiple_of3A, %dma_start3A_80] : memref<10000x128xf32, #tpu.memory_space<vmem_shared>> -> memref<200x128xf32, #tpu.memory_space<vmem_shared>>
        tpu.enqueue_dma source(%dma_start3A_81 : memref<200x128xf32, #tpu.memory_space<vmem_shared>>) target(%arg10 : memref<200x128xf32, #tpu.memory_space<vmem>>) target_semaphore(%run_scoped3A : memref<!tpu.dma_semaphore, #tpu.memory_space<semaphore_mem>>)
        %dma_wait3A = arith.constant 0 : i32
        %dma_wait3A_82 = tpu.memref_slice %arg11[%multiple_of3A, %dma_wait3A] : memref<10000x128xf32, #tpu.memory_space<vmem_shared>> -> memref<200x128xf32, #tpu.memory_space<vmem_shared>>
        %dma_wait3A_83 = arith.constant 0 : i32
        %dma_wait3A_84 = tpu.memref_slice %arg11[%multiple_of3A, %dma_wait3A_83] : memref<10000x128xf32, #tpu.memory_space<vmem_shared>> -> memref<200x128xf32, #tpu.memory_space<vmem_shared>>
        tpu.wait_dma2 semaphore(%run_scoped3A : memref<!tpu.dma_semaphore, #tpu.memory_space<semaphore_mem>>) src(%dma_wait3A_84 : memref<200x128xf32, #tpu.memory_space<vmem_shared>>) dst(%arg10 : memref<200x128xf32, #tpu.memory_space<vmem>>)
        tpu.yield
      }) : () -> ()
      %eq3A = arith.constant 0 : i32
      %eq3A_70 = arith.cmpi eq, %arg0, %eq3A : i32
      %convert_element_type3A_71 = arith.extui %eq3A_70 : i1 to i32
      %cond3A_72 = arith.constant 0 : i32
      %cond3A_73 = arith.cmpi ne, %convert_element_type3A_71, %cond3A_72 : i32
      scf.if %cond3A_73 {
        "tpu.region"() ({
          %run_scoped3A = tpu.sem_alloc : memref<!tpu.dma_semaphore, #tpu.memory_space<semaphore_mem>>
          %dma_start3A = arith.constant 0 : i32
          %dma_start3A_79 = tpu.memref_slice %arg5[%multiple_of3A, %dma_start3A] : memref<10000x128xf32, #tpu.memory_space<hbm>> -> memref<200x128xf32, #tpu.memory_space<hbm>>
          %dma_start3A_80 = arith.constant 0 : i32
          %dma_start3A_81 = tpu.memref_slice %arg5[%multiple_of3A, %dma_start3A_80] : memref<10000x128xf32, #tpu.memory_space<hbm>> -> memref<200x128xf32, #tpu.memory_space<hbm>>
          tpu.enqueue_dma source(%arg10 : memref<200x128xf32, #tpu.memory_space<vmem>>) target(%dma_start3A_81 : memref<200x128xf32, #tpu.memory_space<hbm>>) target_semaphore(%run_scoped3A : memref<!tpu.dma_semaphore, #tpu.memory_space<semaphore_mem>>)
          %dma_wait3A = arith.constant 0 : i32
          %dma_wait3A_82 = tpu.memref_slice %arg5[%multiple_of3A, %dma_wait3A] : memref<10000x128xf32, #tpu.memory_space<hbm>> -> memref<200x128xf32, #tpu.memory_space<hbm>>
          %dma_wait3A_83 = arith.constant 0 : i32
          %dma_wait3A_84 = tpu.memref_slice %arg5[%multiple_of3A, %dma_wait3A_83] : memref<10000x128xf32, #tpu.memory_space<hbm>> -> memref<200x128xf32, #tpu.memory_space<hbm>>
          tpu.wait_dma2 semaphore(%run_scoped3A : memref<!tpu.dma_semaphore, #tpu.memory_space<semaphore_mem>>) src(%arg10 : memref<200x128xf32, #tpu.memory_space<vmem>>) dst(%dma_wait3A_84 : memref<200x128xf32, #tpu.memory_space<hbm>>)
          tpu.yield
        }) : () -> ()
      } else {
      }
      %eq3A_74 = arith.constant 1 : i32
      %eq3A_75 = arith.cmpi eq, %arg0, %eq3A_74 : i32
      %convert_element_type3A_76 = arith.extui %eq3A_75 : i1 to i32
      %cond3A_77 = arith.constant 0 : i32
      %cond3A_78 = arith.cmpi ne, %convert_element_type3A_76, %cond3A_77 : i32
      scf.if %cond3A_78 {
        "tpu.region"() ({
          %run_scoped3A = tpu.sem_alloc : memref<!tpu.dma_semaphore, #tpu.memory_space<semaphore_mem>>
          %dma_start3A = arith.constant 0 : i32
          %dma_start3A_79 = tpu.memref_slice %arg6[%multiple_of3A, %dma_start3A] : memref<10000x128xf32, #tpu.memory_space<hbm>> -> memref<200x128xf32, #tpu.memory_space<hbm>>
          %dma_start3A_80 = arith.constant 0 : i32
          %dma_start3A_81 = tpu.memref_slice %arg6[%multiple_of3A, %dma_start3A_80] : memref<10000x128xf32, #tpu.memory_space<hbm>> -> memref<200x128xf32, #tpu.memory_space<hbm>>
          tpu.enqueue_dma source(%arg10 : memref<200x128xf32, #tpu.memory_space<vmem>>) target(%dma_start3A_81 : memref<200x128xf32, #tpu.memory_space<hbm>>) target_semaphore(%run_scoped3A : memref<!tpu.dma_semaphore, #tpu.memory_space<semaphore_mem>>)
          %dma_wait3A = arith.constant 0 : i32
          %dma_wait3A_82 = tpu.memref_slice %arg6[%multiple_of3A, %dma_wait3A] : memref<10000x128xf32, #tpu.memory_space<hbm>> -> memref<200x128xf32, #tpu.memory_space<hbm>>
          %dma_wait3A_83 = arith.constant 0 : i32
          %dma_wait3A_84 = tpu.memref_slice %arg6[%multiple_of3A, %dma_wait3A_83] : memref<10000x128xf32, #tpu.memory_space<hbm>> -> memref<200x128xf32, #tpu.memory_space<hbm>>
          tpu.wait_dma2 semaphore(%run_scoped3A : memref<!tpu.dma_semaphore, #tpu.memory_space<semaphore_mem>>) src(%arg10 : memref<200x128xf32, #tpu.memory_space<vmem>>) dst(%dma_wait3A_84 : memref<200x128xf32, #tpu.memory_space<hbm>>)
          tpu.yield
        }) : () -> ()
      } else {
      }
    } else {
    }
    %add3A_61 = arith.constant 48 : i32
    %add3A_62 = arith.addi %arg1, %add3A_61 : i32
    %lt3A_63 = arith.constant 50 : i32
    %lt3A_64 = arith.cmpi slt, %add3A_62, %lt3A_63 : i32
    %convert_element_type3A_65 = arith.extui %lt3A_64 : i1 to i32
    %cond3A_66 = arith.constant 0 : i32
    %cond3A_67 = arith.cmpi ne, %convert_element_type3A_65, %cond3A_66 : i32
    scf.if %cond3A_67 {
      %mul3A_68 = arith.constant 200 : i32
      %mul3A_69 = arith.muli %add3A_62, %mul3A_68 : i32
      %multiple_of3A = tpu.assume_multiple %mul3A_69, 8 : i32
      "tpu.region"() ({
        %run_scoped3A = tpu.sem_alloc : memref<!tpu.dma_semaphore, #tpu.memory_space<semaphore_mem>>
        %dma_start3A = arith.constant 0 : i32
        %dma_start3A_79 = tpu.memref_slice %arg11[%multiple_of3A, %dma_start3A] : memref<10000x128xf32, #tpu.memory_space<vmem_shared>> -> memref<200x128xf32, #tpu.memory_space<vmem_shared>>
        %dma_start3A_80 = arith.constant 0 : i32
        %dma_start3A_81 = tpu.memref_slice %arg11[%multiple_of3A, %dma_start3A_80] : memref<10000x128xf32, #tpu.memory_space<vmem_shared>> -> memref<200x128xf32, #tpu.memory_space<vmem_shared>>
        tpu.enqueue_dma source(%dma_start3A_81 : memref<200x128xf32, #tpu.memory_space<vmem_shared>>) target(%arg10 : memref<200x128xf32, #tpu.memory_space<vmem>>) target_semaphore(%run_scoped3A : memref<!tpu.dma_semaphore, #tpu.memory_space<semaphore_mem>>)
        %dma_wait3A = arith.constant 0 : i32
        %dma_wait3A_82 = tpu.memref_slice %arg11[%multiple_of3A, %dma_wait3A] : memref<10000x128xf32, #tpu.memory_space<vmem_shared>> -> memref<200x128xf32, #tpu.memory_space<vmem_shared>>
        %dma_wait3A_83 = arith.constant 0 : i32
        %dma_wait3A_84 = tpu.memref_slice %arg11[%multiple_of3A, %dma_wait3A_83] : memref<10000x128xf32, #tpu.memory_space<vmem_shared>> -> memref<200x128xf32, #tpu.memory_space<vmem_shared>>
        tpu.wait_dma2 semaphore(%run_scoped3A : memref<!tpu.dma_semaphore, #tpu.memory_space<semaphore_mem>>) src(%dma_wait3A_84 : memref<200x128xf32, #tpu.memory_space<vmem_shared>>) dst(%arg10 : memref<200x128xf32, #tpu.memory_space<vmem>>)
        tpu.yield
      }) : () -> ()
      %eq3A = arith.constant 0 : i32
      %eq3A_70 = arith.cmpi eq, %arg0, %eq3A : i32
      %convert_element_type3A_71 = arith.extui %eq3A_70 : i1 to i32
      %cond3A_72 = arith.constant 0 : i32
      %cond3A_73 = arith.cmpi ne, %convert_element_type3A_71, %cond3A_72 : i32
      scf.if %cond3A_73 {
        "tpu.region"() ({
          %run_scoped3A = tpu.sem_alloc : memref<!tpu.dma_semaphore, #tpu.memory_space<semaphore_mem>>
          %dma_start3A = arith.constant 0 : i32
          %dma_start3A_79 = tpu.memref_slice %arg5[%multiple_of3A, %dma_start3A] : memref<10000x128xf32, #tpu.memory_space<hbm>> -> memref<200x128xf32, #tpu.memory_space<hbm>>
          %dma_start3A_80 = arith.constant 0 : i32
          %dma_start3A_81 = tpu.memref_slice %arg5[%multiple_of3A, %dma_start3A_80] : memref<10000x128xf32, #tpu.memory_space<hbm>> -> memref<200x128xf32, #tpu.memory_space<hbm>>
          tpu.enqueue_dma source(%arg10 : memref<200x128xf32, #tpu.memory_space<vmem>>) target(%dma_start3A_81 : memref<200x128xf32, #tpu.memory_space<hbm>>) target_semaphore(%run_scoped3A : memref<!tpu.dma_semaphore, #tpu.memory_space<semaphore_mem>>)
          %dma_wait3A = arith.constant 0 : i32
          %dma_wait3A_82 = tpu.memref_slice %arg5[%multiple_of3A, %dma_wait3A] : memref<10000x128xf32, #tpu.memory_space<hbm>> -> memref<200x128xf32, #tpu.memory_space<hbm>>
          %dma_wait3A_83 = arith.constant 0 : i32
          %dma_wait3A_84 = tpu.memref_slice %arg5[%multiple_of3A, %dma_wait3A_83] : memref<10000x128xf32, #tpu.memory_space<hbm>> -> memref<200x128xf32, #tpu.memory_space<hbm>>
          tpu.wait_dma2 semaphore(%run_scoped3A : memref<!tpu.dma_semaphore, #tpu.memory_space<semaphore_mem>>) src(%arg10 : memref<200x128xf32, #tpu.memory_space<vmem>>) dst(%dma_wait3A_84 : memref<200x128xf32, #tpu.memory_space<hbm>>)
          tpu.yield
        }) : () -> ()
      } else {
      }
      %eq3A_74 = arith.constant 1 : i32
      %eq3A_75 = arith.cmpi eq, %arg0, %eq3A_74 : i32
      %convert_element_type3A_76 = arith.extui %eq3A_75 : i1 to i32
      %cond3A_77 = arith.constant 0 : i32
      %cond3A_78 = arith.cmpi ne, %convert_element_type3A_76, %cond3A_77 : i32
      scf.if %cond3A_78 {
        "tpu.region"() ({
          %run_scoped3A = tpu.sem_alloc : memref<!tpu.dma_semaphore, #tpu.memory_space<semaphore_mem>>
          %dma_start3A = arith.constant 0 : i32
          %dma_start3A_79 = tpu.memref_slice %arg6[%multiple_of3A, %dma_start3A] : memref<10000x128xf32, #tpu.memory_space<hbm>> -> memref<200x128xf32, #tpu.memory_space<hbm>>
          %dma_start3A_80 = arith.constant 0 : i32
          %dma_start3A_81 = tpu.memref_slice %arg6[%multiple_of3A, %dma_start3A_80] : memref<10000x128xf32, #tpu.memory_space<hbm>> -> memref<200x128xf32, #tpu.memory_space<hbm>>
          tpu.enqueue_dma source(%arg10 : memref<200x128xf32, #tpu.memory_space<vmem>>) target(%dma_start3A_81 : memref<200x128xf32, #tpu.memory_space<hbm>>) target_semaphore(%run_scoped3A : memref<!tpu.dma_semaphore, #tpu.memory_space<semaphore_mem>>)
          %dma_wait3A = arith.constant 0 : i32
          %dma_wait3A_82 = tpu.memref_slice %arg6[%multiple_of3A, %dma_wait3A] : memref<10000x128xf32, #tpu.memory_space<hbm>> -> memref<200x128xf32, #tpu.memory_space<hbm>>
          %dma_wait3A_83 = arith.constant 0 : i32
          %dma_wait3A_84 = tpu.memref_slice %arg6[%multiple_of3A, %dma_wait3A_83] : memref<10000x128xf32, #tpu.memory_space<hbm>> -> memref<200x128xf32, #tpu.memory_space<hbm>>
          tpu.wait_dma2 semaphore(%run_scoped3A : memref<!tpu.dma_semaphore, #tpu.memory_space<semaphore_mem>>) src(%arg10 : memref<200x128xf32, #tpu.memory_space<vmem>>) dst(%dma_wait3A_84 : memref<200x128xf32, #tpu.memory_space<hbm>>)
          tpu.yield
        }) : () -> ()
      } else {
      }
    } else {
    }
    return
  }
}

module attributes {stable_mosaic.version = 14 : i64} {
  func.func @body(%arg0: i32, %arg1: memref<2000x128xf32, #tpu.memory_space<vmem>>, %arg2: memref<128x128xf32, #tpu.memory_space<vmem>>, %arg3: memref<2000x1xf32, #tpu.memory_space<vmem>>, %arg4: memref<2000x1xf32, #tpu.memory_space<vmem>>, %arg5: memref<2000x128xf32, #tpu.memory_space<vmem>>) attributes {dimension_semantics = [#tpu.dimension_semantics<arbitrary>], iteration_bounds = array<i64: 5>, scalar_prefetch = 0 : i64, scratch_operands = 0 : i64, tpu.core_type = #tpu.core_type<tc>, window_params = [{transform_indices = @transform_0, window_bounds = array<i64: 2000, 128>}, {pipeline_mode = #tpu.pipeline_mode<synchronous>, transform_indices = @transform_1, window_bounds = array<i64: 128, 128>}, {transform_indices = @transform_2, window_bounds = array<i64: 2000, 1>}, {transform_indices = @transform_3, window_bounds = array<i64: 2000, 1>}, {transform_indices = @transform_4, window_bounds = array<i64: 2000, 128>}]} {
    %get3A = arith.constant 0 : index
    %get3A_0 = arith.constant 0 : index
    %get3A_1 = vector.load %arg3[%get3A, %get3A_0] : memref<2000x1xf32, #tpu.memory_space<vmem>>, vector<2000x1xf32>
    %get3A_2 = arith.constant 0 : index
    %get3A_3 = arith.constant 0 : index
    %get3A_4 = vector.load %arg4[%get3A_2, %get3A_3] : memref<2000x1xf32, #tpu.memory_space<vmem>>, vector<2000x1xf32>
    %add3A = arith.addf %get3A_1, %get3A_4 : vector<2000x1xf32>
    %add3A_5 = arith.constant 1.000000e+00 : f32
    %add3A_6 = vector.broadcast %add3A_5 : f32 to vector<2000x1xf32>
    %add3A_7 = arith.addf %add3A, %add3A_6 : vector<2000x1xf32>
    %rsqrt3A = math.rsqrt %add3A_7 : vector<2000x1xf32>
    %get3A_8 = arith.constant 0 : index
    %get3A_9 = arith.constant 0 : index
    %get3A_10 = vector.load %arg1[%get3A_8, %get3A_9] : memref<2000x128xf32, #tpu.memory_space<vmem>>, vector<2000x128xf32>
    %get3A_11 = arith.constant 0 : index
    %get3A_12 = arith.constant 0 : index
    %get3A_13 = vector.load %arg2[%get3A_11, %get3A_12] : memref<128x128xf32, #tpu.memory_space<vmem>>, vector<128x128xf32>
    %dot_general3A = arith.constant dense<0.000000e+00> : vector<2000x128xf32>
    %dot_general3A_14 = tpu.matmul %get3A_10, %get3A_13, %dot_general3A {dimension_numbers = #tpu.dot_dimension_numbers<[1], [0], [0], [1], [0, 0, 1, 1], [], []>, transpose_lhs_hint = false} : vector<2000x128xf32>, vector<128x128xf32>, vector<2000x128xf32> -> vector<2000x128xf32>
    %mul3A = vector.broadcast %rsqrt3A : vector<2000x1xf32> to vector<2000x128xf32>
    %mul3A_15 = arith.mulf %dot_general3A_14, %mul3A : vector<2000x128xf32>
    %swap3A = arith.constant 0 : index
    %swap3A_16 = arith.constant 0 : index
    %swap3A_17 = vector.load %arg5[%swap3A, %swap3A_16] : memref<2000x128xf32, #tpu.memory_space<vmem>>, vector<2000x128xf32>
    tpu.vector_store %arg5[%swap3A, %swap3A_16], %mul3A_15 {strides = array<i32>} : memref<2000x128xf32, #tpu.memory_space<vmem>>, vector<2000x128xf32>,
    return
  }
  func.func @transform_0(%arg0: i32) -> (i32, i32) {
    %c0_i32 = arith.constant 0 : i32
    %c0_i32_0 = arith.constant 0 : i32
    return %arg0, %c0_i32 : i32, i32
  }
  func.func @transform_1(%arg0: i32) -> (i32, i32) {
    %c0_i32 = arith.constant 0 : i32
    %c0_i32_0 = arith.constant 0 : i32
    %c0_i32_1 = arith.constant 0 : i32
    return %c0_i32, %c0_i32_0 : i32, i32
  }
  func.func @transform_2(%arg0: i32) -> (i32, i32) {
    %c0_i32 = arith.constant 0 : i32
    %c0_i32_0 = arith.constant 0 : i32
    return %arg0, %c0_i32 : i32, i32
  }
  func.func @transform_3(%arg0: i32) -> (i32, i32) {
    %c0_i32 = arith.constant 0 : i32
    %c0_i32_0 = arith.constant 0 : i32
    return %arg0, %c0_i32 : i32, i32
  }
  func.func @transform_4(%arg0: i32) -> (i32, i32) {
    %c0_i32 = arith.constant 0 : i32
    %c0_i32_0 = arith.constant 0 : i32
    return %arg0, %c0_i32 : i32, i32
  }
}

module attributes {stable_mosaic.version = 14 : i64} {
  func.func @body(%arg0: i32, %arg1: memref<2000x128xf32, #tpu.memory_space<vmem>>, %arg2: memref<2000x128xf32, #tpu.memory_space<vmem>>, %arg3: memref<2000x128xf32, #tpu.memory_space<vmem>>, %arg4: memref<2000x1xf32, #tpu.memory_space<vmem>>, %arg5: memref<2000x1xf32, #tpu.memory_space<vmem>>, %arg6: memref<1x128xf32, #tpu.memory_space<vmem>>, %arg7: memref<128x128xf32, #tpu.memory_space<vmem>>, %arg8: memref<2000x128xf32, #tpu.memory_space<vmem>>) attributes {dimension_semantics = [#tpu.dimension_semantics<arbitrary>], iteration_bounds = array<i64: 5>, scalar_prefetch = 0 : i64, scratch_operands = 0 : i64, tpu.core_type = #tpu.core_type<tc>, window_params = [{transform_indices = @transform_0, window_bounds = array<i64: 2000, 128>}, {transform_indices = @transform_1, window_bounds = array<i64: 2000, 128>}, {transform_indices = @transform_2, window_bounds = array<i64: 2000, 128>}, {transform_indices = @transform_3, window_bounds = array<i64: 2000, 1>}, {transform_indices = @transform_4, window_bounds = array<i64: 2000, 1>}, {pipeline_mode = #tpu.pipeline_mode<synchronous>, transform_indices = @transform_5, window_bounds = array<i64: 1, 128>}, {pipeline_mode = #tpu.pipeline_mode<synchronous>, transform_indices = @transform_6, window_bounds = array<i64: 128, 128>}, {transform_indices = @transform_7, window_bounds = array<i64: 2000, 128>}]} {
    %get3A = arith.constant 0 : index
    %get3A_0 = arith.constant 0 : index
    %get3A_1 = vector.load %arg4[%get3A, %get3A_0] : memref<2000x1xf32, #tpu.memory_space<vmem>>, vector<2000x1xf32>
    %get3A_2 = arith.constant 0 : index
    %get3A_3 = arith.constant 0 : index
    %get3A_4 = vector.load %arg5[%get3A_2, %get3A_3] : memref<2000x1xf32, #tpu.memory_space<vmem>>, vector<2000x1xf32>
    %add3A = arith.addf %get3A_1, %get3A_4 : vector<2000x1xf32>
    %add3A_5 = arith.constant 1.000000e+00 : f32
    %add3A_6 = vector.broadcast %add3A_5 : f32 to vector<2000x1xf32>
    %add3A_7 = arith.addf %add3A, %add3A_6 : vector<2000x1xf32>
    %rsqrt3A = math.rsqrt %add3A_7 : vector<2000x1xf32>
    %get3A_8 = arith.constant 0 : index
    %get3A_9 = arith.constant 0 : index
    %get3A_10 = vector.load %arg1[%get3A_8, %get3A_9] : memref<2000x128xf32, #tpu.memory_space<vmem>>, vector<2000x128xf32>
    %get3A_11 = arith.constant 0 : index
    %get3A_12 = arith.constant 0 : index
    %get3A_13 = vector.load %arg2[%get3A_11, %get3A_12] : memref<2000x128xf32, #tpu.memory_space<vmem>>, vector<2000x128xf32>
    %add3A_14 = arith.addf %get3A_10, %get3A_13 : vector<2000x128xf32>
    %get3A_15 = arith.constant 0 : index
    %get3A_16 = arith.constant 0 : index
    %get3A_17 = vector.load %arg3[%get3A_15, %get3A_16] : memref<2000x128xf32, #tpu.memory_space<vmem>>, vector<2000x128xf32>
    %add3A_18 = arith.addf %add3A_14, %get3A_17 : vector<2000x128xf32>
    %mul3A = vector.broadcast %rsqrt3A : vector<2000x1xf32> to vector<2000x128xf32>
    %mul3A_19 = arith.mulf %mul3A, %add3A_18 : vector<2000x128xf32>
    %get3A_20 = arith.constant 0 : index
    %get3A_21 = arith.constant 0 : index
    %get3A_22 = vector.load %arg6[%get3A_20, %get3A_21] : memref<1x128xf32, #tpu.memory_space<vmem>>, vector<1x128xf32>
    %add3A_23 = vector.broadcast %get3A_22 : vector<1x128xf32> to vector<2000x128xf32>
    %add3A_24 = arith.addf %mul3A_19, %add3A_23 : vector<2000x128xf32>
    %max3A = arith.constant 0.000000e+00 : f32
    %max3A_25 = vector.broadcast %max3A : f32 to vector<2000x128xf32>
    %max3A_26 = arith.maximumf %add3A_24, %max3A_25 : vector<2000x128xf32>
    %get3A_27 = arith.constant 0 : index
    %get3A_28 = arith.constant 0 : index
    %get3A_29 = vector.load %arg7[%get3A_27, %get3A_28] : memref<128x128xf32, #tpu.memory_space<vmem>>, vector<128x128xf32>
    %dot_general3A = arith.constant dense<0.000000e+00> : vector<2000x128xf32>
    %dot_general3A_30 = tpu.matmul %max3A_26, %get3A_29, %dot_general3A {dimension_numbers = #tpu.dot_dimension_numbers<[1], [0], [0], [1], [0, 0, 1, 1], [], []>, transpose_lhs_hint = false} : vector<2000x128xf32>, vector<128x128xf32>, vector<2000x128xf32> -> vector<2000x128xf32>
    %mul3A_31 = vector.broadcast %rsqrt3A : vector<2000x1xf32> to vector<2000x128xf32>
    %mul3A_32 = arith.mulf %dot_general3A_30, %mul3A_31 : vector<2000x128xf32>
    %swap3A = arith.constant 0 : index
    %swap3A_33 = arith.constant 0 : index
    %swap3A_34 = vector.load %arg8[%swap3A, %swap3A_33] : memref<2000x128xf32, #tpu.memory_space<vmem>>, vector<2000x128xf32>
    tpu.vector_store %arg8[%swap3A, %swap3A_33], %mul3A_32 {strides = array<i32>} : memref<2000x128xf32, #tpu.memory_space<vmem>>, vector<2000x128xf32>,
    return
  }
  func.func @transform_0(%arg0: i32) -> (i32, i32) {
    %c0_i32 = arith.constant 0 : i32
    %c0_i32_0 = arith.constant 0 : i32
    return %arg0, %c0_i32 : i32, i32
  }
  func.func @transform_1(%arg0: i32) -> (i32, i32) {
    %c0_i32 = arith.constant 0 : i32
    %c0_i32_0 = arith.constant 0 : i32
    return %arg0, %c0_i32 : i32, i32
  }
  func.func @transform_2(%arg0: i32) -> (i32, i32) {
    %c0_i32 = arith.constant 0 : i32
    %c0_i32_0 = arith.constant 0 : i32
    return %arg0, %c0_i32 : i32, i32
  }
  func.func @transform_3(%arg0: i32) -> (i32, i32) {
    %c0_i32 = arith.constant 0 : i32
    %c0_i32_0 = arith.constant 0 : i32
    return %arg0, %c0_i32 : i32, i32
  }
  func.func @transform_4(%arg0: i32) -> (i32, i32) {
    %c0_i32 = arith.constant 0 : i32
    %c0_i32_0 = arith.constant 0 : i32
    return %arg0, %c0_i32 : i32, i32
  }
  func.func @transform_5(%arg0: i32) -> (i32, i32) {
    %c0_i32 = arith.constant 0 : i32
    %c0_i32_0 = arith.constant 0 : i32
    %c0_i32_1 = arith.constant 0 : i32
    return %c0_i32, %c0_i32_0 : i32, i32
  }
  func.func @transform_6(%arg0: i32) -> (i32, i32) {
    %c0_i32 = arith.constant 0 : i32
    %c0_i32_0 = arith.constant 0 : i32
    %c0_i32_1 = arith.constant 0 : i32
    return %c0_i32, %c0_i32_0 : i32, i32
  }
  func.func @transform_7(%arg0: i32) -> (i32, i32) {
    %c0_i32 = arith.constant 0 : i32
    %c0_i32_0 = arith.constant 0 : i32
    return %arg0, %c0_i32 : i32, i32
  }
}

module attributes {stable_mosaic.version = 14 : i64} {
  func.func @body(%arg0: i32, %arg1: memref<2000x128xf32, #tpu.memory_space<vmem>>, %arg2: memref<2000x128xf32, #tpu.memory_space<vmem>>, %arg3: memref<2000x128xf32, #tpu.memory_space<vmem>>, %arg4: memref<2000x1xf32, #tpu.memory_space<vmem>>, %arg5: memref<2000x1xf32, #tpu.memory_space<vmem>>, %arg6: memref<1x128xf32, #tpu.memory_space<vmem>>, %arg7: memref<2000x1xi32, #tpu.memory_space<vmem>>, %arg8: memref<128x10xf32, #tpu.memory_space<vmem>>, %arg9: memref<1x10xf32, #tpu.memory_space<vmem>>, %arg10: memref<128x10xf32, #tpu.memory_space<vmem>>, %arg11: memref<128x128xf32, #tpu.memory_space<vmem>>, %arg12: memref<128x1xf32, #tpu.memory_space<vmem>>) attributes {dimension_semantics = [#tpu.dimension_semantics<arbitrary>], iteration_bounds = array<i64: 5>, scalar_prefetch = 0 : i64, scratch_operands = 2 : i64, tpu.core_type = #tpu.core_type<tc>, window_params = [{transform_indices = @transform_0, window_bounds = array<i64: 2000, 128>}, {transform_indices = @transform_1, window_bounds = array<i64: 2000, 128>}, {transform_indices = @transform_2, window_bounds = array<i64: 2000, 128>}, {transform_indices = @transform_3, window_bounds = array<i64: 2000, 1>}, {transform_indices = @transform_4, window_bounds = array<i64: 2000, 1>}, {pipeline_mode = #tpu.pipeline_mode<synchronous>, transform_indices = @transform_5, window_bounds = array<i64: 1, 128>}, {transform_indices = @transform_6, window_bounds = array<i64: 2000, 1>}, {pipeline_mode = #tpu.pipeline_mode<synchronous>, transform_indices = @transform_7, window_bounds = array<i64: 128, 10>}, {pipeline_mode = #tpu.pipeline_mode<synchronous>, transform_indices = @transform_8, window_bounds = array<i64: 1, 10>}, {pipeline_mode = #tpu.pipeline_mode<synchronous>, transform_indices = @transform_9, window_bounds = array<i64: 128, 10>}]} {
    %get3A = arith.constant 0 : index
    %get3A_0 = arith.constant 0 : index
    %get3A_1 = vector.load %arg4[%get3A, %get3A_0] : memref<2000x1xf32, #tpu.memory_space<vmem>>, vector<2000x1xf32>
    %get3A_2 = arith.constant 0 : index
    %get3A_3 = arith.constant 0 : index
    %get3A_4 = vector.load %arg5[%get3A_2, %get3A_3] : memref<2000x1xf32, #tpu.memory_space<vmem>>, vector<2000x1xf32>
    %add3A = arith.addf %get3A_1, %get3A_4 : vector<2000x1xf32>
    %add3A_5 = arith.constant 1.000000e+00 : f32
    %add3A_6 = vector.broadcast %add3A_5 : f32 to vector<2000x1xf32>
    %add3A_7 = arith.addf %add3A, %add3A_6 : vector<2000x1xf32>
    %rsqrt3A = math.rsqrt %add3A_7 : vector<2000x1xf32>
    %get3A_8 = arith.constant 0 : index
    %get3A_9 = arith.constant 0 : index
    %get3A_10 = vector.load %arg1[%get3A_8, %get3A_9] : memref<2000x128xf32, #tpu.memory_space<vmem>>, vector<2000x128xf32>
    %get3A_11 = arith.constant 0 : index
    %get3A_12 = arith.constant 0 : index
    %get3A_13 = vector.load %arg2[%get3A_11, %get3A_12] : memref<2000x128xf32, #tpu.memory_space<vmem>>, vector<2000x128xf32>
    %add3A_14 = arith.addf %get3A_10, %get3A_13 : vector<2000x128xf32>
    %get3A_15 = arith.constant 0 : index
    %get3A_16 = arith.constant 0 : index
    %get3A_17 = vector.load %arg3[%get3A_15, %get3A_16] : memref<2000x128xf32, #tpu.memory_space<vmem>>, vector<2000x128xf32>
    %add3A_18 = arith.addf %add3A_14, %get3A_17 : vector<2000x128xf32>
    %mul3A = vector.broadcast %rsqrt3A : vector<2000x1xf32> to vector<2000x128xf32>
    %mul3A_19 = arith.mulf %mul3A, %add3A_18 : vector<2000x128xf32>
    %get3A_20 = arith.constant 0 : index
    %get3A_21 = arith.constant 0 : index
    %get3A_22 = vector.load %arg6[%get3A_20, %get3A_21] : memref<1x128xf32, #tpu.memory_space<vmem>>, vector<1x128xf32>
    %add3A_23 = vector.broadcast %get3A_22 : vector<1x128xf32> to vector<2000x128xf32>
    %add3A_24 = arith.addf %mul3A_19, %add3A_23 : vector<2000x128xf32>
    %iota3A = tpu.iota {dimensions = array<i32: 1>} : vector<2000x128xi32>
    %get3A_25 = arith.constant 0 : index
    %get3A_26 = arith.constant 0 : index
    %get3A_27 = vector.load %arg7[%get3A_25, %get3A_26] : memref<2000x1xi32, #tpu.memory_space<vmem>>, vector<2000x1xi32>
    %eq3A = vector.broadcast %get3A_27 : vector<2000x1xi32> to vector<2000x128xi32>
    %eq3A_28 = arith.cmpi eq, %eq3A, %iota3A : vector<2000x128xi32>
    %convert_element_type3A = arith.extui %eq3A_28 : vector<2000x128xi1> to vector<2000x128xi32>
    %convert_element_type3A_29 = arith.sitofp %convert_element_type3A : vector<2000x128xi32> to vector<2000x128xf32>
    %dot_general3A = arith.constant dense<0.000000e+00> : vector<128x128xf32>
    %dot_general3A_30 = tpu.matmul %convert_element_type3A_29, %add3A_24, %dot_general3A {dimension_numbers = #tpu.dot_dimension_numbers<[0], [0], [1], [1], [0, 1, 1, 1], [], []>, transpose_lhs_hint = false} : vector<2000x128xf32>, vector<2000x128xf32>, vector<128x128xf32> -> vector<128x128xf32>
    %broadcast_in_dim3A = arith.constant 1.000000e+00 : f32
    %broadcast_in_dim3A_31 = vector.broadcast %broadcast_in_dim3A : f32 to vector<2000x1xf32>
    %dot_general3A_32 = arith.constant dense<0.000000e+00> : vector<128x1xf32>
    %dot_general3A_33 = tpu.matmul %convert_element_type3A_29, %broadcast_in_dim3A_31, %dot_general3A_32 {dimension_numbers = #tpu.dot_dimension_numbers<[0], [0], [1], [1], [0, 1, 1, 1], [], []>, transpose_lhs_hint = false} : vector<2000x128xf32>, vector<2000x1xf32>, vector<128x1xf32> -> vector<128x1xf32>
    %eq3A_34 = arith.constant 0 : i32
    %eq3A_35 = arith.cmpi eq, %arg0, %eq3A_34 : i32
    %convert_element_type3A_36 = arith.extui %eq3A_35 : i1 to i32
    %cond3A = arith.constant 0 : i32
    %cond3A_37 = arith.cmpi ne, %convert_element_type3A_36, %cond3A : i32
    scf.if %cond3A_37 {
      %swap3A = arith.constant 0 : index
      %swap3A_47 = arith.constant 0 : index
      %swap3A_48 = vector.load %arg11[%swap3A, %swap3A_47] : memref<128x128xf32, #tpu.memory_space<vmem>>, vector<128x128xf32>
      tpu.vector_store %arg11[%swap3A, %swap3A_47], %dot_general3A_30 {strides = array<i32>} : memref<128x128xf32, #tpu.memory_space<vmem>>, vector<128x128xf32>,
      %swap3A_49 = arith.constant 0 : index
      %swap3A_50 = arith.constant 0 : index
      %swap3A_51 = vector.load %arg12[%swap3A_49, %swap3A_50] : memref<128x1xf32, #tpu.memory_space<vmem>>, vector<128x1xf32>
      tpu.vector_store %arg12[%swap3A_49, %swap3A_50], %dot_general3A_33 {strides = array<i32>} : memref<128x1xf32, #tpu.memory_space<vmem>>, vector<128x1xf32>,
    } else {
    }
    %gt3A = arith.constant 0 : i32
    %gt3A_38 = arith.cmpi sgt, %arg0, %gt3A : i32
    %convert_element_type3A_39 = arith.extui %gt3A_38 : i1 to i32
    %cond3A_40 = arith.constant 0 : i32
    %cond3A_41 = arith.cmpi ne, %convert_element_type3A_39, %cond3A_40 : i32
    scf.if %cond3A_41 {
      %get3A_47 = arith.constant 0 : index
      %get3A_48 = arith.constant 0 : index
      %get3A_49 = vector.load %arg11[%get3A_47, %get3A_48] : memref<128x128xf32, #tpu.memory_space<vmem>>, vector<128x128xf32>
      %add3A_50 = arith.addf %get3A_49, %dot_general3A_30 : vector<128x128xf32>
      %swap3A = arith.constant 0 : index
      %swap3A_51 = arith.constant 0 : index
      %swap3A_52 = vector.load %arg11[%swap3A, %swap3A_51] : memref<128x128xf32, #tpu.memory_space<vmem>>, vector<128x128xf32>
      tpu.vector_store %arg11[%swap3A, %swap3A_51], %add3A_50 {strides = array<i32>} : memref<128x128xf32, #tpu.memory_space<vmem>>, vector<128x128xf32>,
      %get3A_53 = arith.constant 0 : index
      %get3A_54 = arith.constant 0 : index
      %get3A_55 = vector.load %arg12[%get3A_53, %get3A_54] : memref<128x1xf32, #tpu.memory_space<vmem>>, vector<128x1xf32>
      %add3A_56 = arith.addf %get3A_55, %dot_general3A_33 : vector<128x1xf32>
      %swap3A_57 = arith.constant 0 : index
      %swap3A_58 = arith.constant 0 : index
      %swap3A_59 = vector.load %arg12[%swap3A_57, %swap3A_58] : memref<128x1xf32, #tpu.memory_space<vmem>>, vector<128x1xf32>
      tpu.vector_store %arg12[%swap3A_57, %swap3A_58], %add3A_56 {strides = array<i32>} : memref<128x1xf32, #tpu.memory_space<vmem>>, vector<128x1xf32>,
    } else {
    }
    %eq3A_42 = arith.constant 4 : i32
    %eq3A_43 = arith.cmpi eq, %arg0, %eq3A_42 : i32
    %convert_element_type3A_44 = arith.extui %eq3A_43 : i1 to i32
    %cond3A_45 = arith.constant 0 : i32
    %cond3A_46 = arith.cmpi ne, %convert_element_type3A_44, %cond3A_45 : i32
    scf.if %cond3A_46 {
      %get3A_47 = arith.constant 0 : index
      %get3A_48 = arith.constant 0 : index
      %get3A_49 = vector.load %arg11[%get3A_47, %get3A_48] : memref<128x128xf32, #tpu.memory_space<vmem>>, vector<128x128xf32>
      %get3A_50 = arith.constant 0 : index
      %get3A_51 = arith.constant 0 : index
      %get3A_52 = vector.load %arg12[%get3A_50, %get3A_51] : memref<128x1xf32, #tpu.memory_space<vmem>>, vector<128x1xf32>
      %max3A = arith.constant 1.000000e+00 : f32
      %max3A_53 = vector.broadcast %max3A : f32 to vector<128x1xf32>
      %max3A_54 = arith.maximumf %get3A_52, %max3A_53 : vector<128x1xf32>
      %div3A = vector.broadcast %max3A_54 : vector<128x1xf32> to vector<128x128xf32>
      %div3A_55 = arith.divf %get3A_49, %div3A : vector<128x128xf32>
      %get3A_56 = arith.constant 0 : index
      %get3A_57 = arith.constant 0 : index
      %get3A_58 = vector.load %arg8[%get3A_56, %get3A_57] : memref<128x10xf32, #tpu.memory_space<vmem>>, vector<128x10xf32>
      %dot_general3A_59 = arith.constant dense<0.000000e+00> : vector<128x10xf32>
      %dot_general3A_60 = tpu.matmul %div3A_55, %get3A_58, %dot_general3A_59 {dimension_numbers = #tpu.dot_dimension_numbers<[1], [0], [0], [1], [0, 0, 1, 1], [], []>, transpose_lhs_hint = false} : vector<128x128xf32>, vector<128x10xf32>, vector<128x10xf32> -> vector<128x10xf32>
      %get3A_61 = arith.constant 0 : index
      %get3A_62 = arith.constant 0 : index
      %get3A_63 = vector.load %arg9[%get3A_61, %get3A_62] : memref<1x10xf32, #tpu.memory_space<vmem>>, vector<1x10xf32>
      %add3A_64 = vector.broadcast %get3A_63 : vector<1x10xf32> to vector<128x10xf32>
      %add3A_65 = arith.addf %dot_general3A_60, %add3A_64 : vector<128x10xf32>
      %swap3A = arith.constant 0 : index
      %swap3A_66 = arith.constant 0 : index
      %swap3A_67 = vector.load %arg10[%swap3A, %swap3A_66] : memref<128x10xf32, #tpu.memory_space<vmem>>, vector<128x10xf32>
      tpu.vector_store %arg10[%swap3A, %swap3A_66], %add3A_65 {strides = array<i32>} : memref<128x10xf32, #tpu.memory_space<vmem>>, vector<128x10xf32>,
    } else {
    }
    return
  }
  func.func @transform_0(%arg0: i32) -> (i32, i32) {
    %c0_i32 = arith.constant 0 : i32
    %c0_i32_0 = arith.constant 0 : i32
    return %arg0, %c0_i32 : i32, i32
  }
  func.func @transform_1(%arg0: i32) -> (i32, i32) {
    %c0_i32 = arith.constant 0 : i32
    %c0_i32_0 = arith.constant 0 : i32
    return %arg0, %c0_i32 : i32, i32
  }
  func.func @transform_2(%arg0: i32) -> (i32, i32) {
    %c0_i32 = arith.constant 0 : i32
    %c0_i32_0 = arith.constant 0 : i32
    return %arg0, %c0_i32 : i32, i32
  }
  func.func @transform_3(%arg0: i32) -> (i32, i32) {
    %c0_i32 = arith.constant 0 : i32
    %c0_i32_0 = arith.constant 0 : i32
    return %arg0, %c0_i32 : i32, i32
  }
  func.func @transform_4(%arg0: i32) -> (i32, i32) {
    %c0_i32 = arith.constant 0 : i32
    %c0_i32_0 = arith.constant 0 : i32
    return %arg0, %c0_i32 : i32, i32
  }
  func.func @transform_5(%arg0: i32) -> (i32, i32) {
    %c0_i32 = arith.constant 0 : i32
    %c0_i32_0 = arith.constant 0 : i32
    %c0_i32_1 = arith.constant 0 : i32
    return %c0_i32, %c0_i32_0 : i32, i32
  }
  func.func @transform_6(%arg0: i32) -> (i32, i32) {
    %c0_i32 = arith.constant 0 : i32
    %c0_i32_0 = arith.constant 0 : i32
    return %arg0, %c0_i32 : i32, i32
  }
  func.func @transform_7(%arg0: i32) -> (i32, i32) {
    %c0_i32 = arith.constant 0 : i32
    %c0_i32_0 = arith.constant 0 : i32
    %c0_i32_1 = arith.constant 0 : i32
    return %c0_i32, %c0_i32_0 : i32, i32
  }
  func.func @transform_8(%arg0: i32) -> (i32, i32) {
    %c0_i32 = arith.constant 0 : i32
    %c0_i32_0 = arith.constant 0 : i32
    %c0_i32_1 = arith.constant 0 : i32
    return %c0_i32, %c0_i32_0 : i32, i32
  }
  func.func @transform_9(%arg0: i32) -> (i32, i32) {
    %c0_i32 = arith.constant 0 : i32
    %c0_i32_0 = arith.constant 0 : i32
    %c0_i32_1 = arith.constant 0 : i32
    return %c0_i32, %c0_i32_0 : i32, i32
  }
}

</mosaic_0001>

<sc_bundles>
// kernel: kernel.11.cloned.1.call-start
scs
__scs_entry_jumppad:
0x0: {  	(pc) =	sbr.rel $0x88, $3  }
0x1: {  	(tag) =	ssettag $0x0;
	lr =	simm.s32 $0x1  }
0x2: {  	[smem:$0x3F98] =	sst lr;
	_ =	strace $0xD0000000  }
0x3: {  	_ = 	snop  }
0x4: {  	_ = 	snop  }
0x5: {  	_ = 	snop  }
0x6: {  	_ = 	snop  }
0x7: {  	_ = 	snop  }
__scs_overlays_trampoline_lowered:
0x8: {  	[smem:$0x3FA7] =	sst s0  }
0x9: {  	[smem:$0x3FA8] =	sst s1  }
0xa: {  	[smem:$0x3FA9] =	sst s2  }
0xb: {  	[smem:$0x3FAA] =	sst s3  }
0xc: {  	[smem:$0x3FAB] =	sst s4  }
0xd: {  	[smem:$0x3FAC] =	sst s5  }
0xe: {  	[smem:$0x3FAD] =	sst s6  }
0xf: {  	[smem:$0x3FAE] =	sst s7  }
0x10: {  	[smem:$0x3FAF] =	sst s8  }
0x11: {  	[smem:$0x3FB0] =	sst s9;
	s0 =	simm.s32 @!p0 $0x0  }
0x12: {  	s1 =	sld [smem:$0x3F96];
	s0 =	simm.s32 @p0 $0x1  }
0x13: {  	[smem:$0x3FB1] =	sst s0;
	s0 =	simm.s32 @!p1 $0x0  }
0x14: {  	s2 =	sld [smem:$0x3F95];
	s0 =	simm.s32 @p1 $0x1  }
0x15: {  	[smem:$0x3FB2] =	sst s0;
	s0 =	simm.s32 @!p2 $0x0  }
0x16: {  	s3 =	sld [smem:$0x3FDB];
	s0 =	simm.s32 @p2 $0x1  }
0x17: {  	s4 =	simm.s32 $0x1BF5;
	[smem:$0x3FB4] =	sst s0  }
0x18: {  	s0 =	sld [smem:$0x3F97];
	_ =	swait.ge [sflag:s4], $0x0  }
0x19: {  	s7 =	sld [smem:$0x3F98]  }
0x1a: {  	s8 =	sadd.s32 $0xFFFFE003, lr  }
0x1b: {  	s9 =	sadd.s32 $0xFFFFFEF7, lr;
	s5 =	simm.s32 $0xFFFFFFFF;
	p2 =	slt.u32 s8, $0xFFFFF086  }
0x1c: {  	p1 =	slt.u32 s9, $0xF7A;
	s5 =	simm.s32 @!p2 $0x0  }
0x1d: {  	s5 =	simm.s32 @p1 $0x1;
	p0 =	seq.s32 s7, s2  }
0x1e: {  	s7 =	smul.u32 @!p0 $0xF7A, s2;
	p2 =	seq.s32 @!p0 s5, $0x0  }
0x1f: {  	s9 =	smul.u32 $0xF7A, s1;
	s8 =	simm.s32 @!p0 $0x1BF5;
	p2 =	por !p2, p0  }
0x20: {  	[sflag:s8] =	ssyncset.s32 @!p0 $0xFFFFF086;
	s6 =	sadd.s32 @!p0 s3, s7;
	s7 =	simm.s32 @!p0 $0x108  }
0x21: {  	s3 =	sadd.s32 s3, s9;
	s6 =	sadd.s32 @!p0 $0x88, s6;
	s7 =	simm.s32 @p2 $0x1082  }
0x22: {  	[simem:s7], [sflag:s8] =	dma.local @!p0 [hbm:s6], $0xF7A  }
0x23: {  	s9 =	sor.u32 $0xD0000000, s2;
	s6 =	simm.s32 $0x108;
	_ =	swait.ge @!p0 [sflag:s8], $0x0  }
0x24: {  	s3 =	sadd.s32 $0x88, s3;
	s6 =	simm.s32 @!p1 $0x1082;
	[sflag:s4] =	ssyncset.s32 $0xFFFFF086  }
0x25: {  	[simem:s6], [sflag:s4] =	dma.local [hbm:s3], $0xF7A  }
0x26: {  	[smem:$0x3F98] =	sst s1;
	(tag) =	ssettag s2;
	_ =	strace s9  }
0x27: {  	s1 =	sld [smem:$0x3FA8]  }
0x28: {  	s2 =	sld [smem:$0x3FA9]  }
0x29: {  	s4 =	sld [smem:$0x3FAB]  }
0x2a: {  	p0 =	seq.s32 s5, $0x0;
	s5 =	sld [smem:$0x3FAC]  }
0x2b: {  	s6 =	sld [smem:$0x3FAD]  }
0x2c: {  	s7 =	sld [smem:$0x3FAE]  }
0x2d: {  	s3 =	simm.s32 $0x108;
	s8 =	sld [smem:$0x3FAF]  }
0x2e: {  	s3 =	simm.s32 @!p0 $0x1082;
	s9 =	sld [smem:$0x3FB0]  }
0x2f: {  	lr =	sadd.s32 s0, s3;
	s0 =	sld [smem:$0x3FA7]  }
0x30: {  	s3 =	sld [smem:$0x3FAA]  }
0x31: {  	[smem:$0x3FB3] =	sst s10  }
0x32: {  	s10 =	sld [smem:$0x3FB1];
	_ =	sdelay $0x3  }
0x33: {  	p0 =	seq.s32 s10, $0x1;
	s10 =	sld [smem:$0x3FB3];
	_ =	sdelay $0x3  }
0x34: {  	[smem:$0x3FB3] =	sst s10  }
0x35: {  	s10 =	sld [smem:$0x3FB2];
	_ =	sdelay $0x3  }
0x36: {  	p1 =	seq.s32 s10, $0x1;
	s10 =	sld [smem:$0x3FB3];
	_ =	sdelay $0x3  }
0x37: {  	[smem:$0x3FB3] =	sst s10  }
0x38: {  	s10 =	sld [smem:$0x3FB4]  }
0x39: {  	_ = 	snop;
	(pc) =	sbr.ind lr, $3  }
0x3a: {  	_ = 	snop  }
0x3b: {  	_ = 	snop  }
0x3c: {  	p2 =	seq.s32 s10, $0x1;
	s10 =	sld [smem:$0x3FB3]  }
0x3d: {  	_ =	shalt  }
0x3e: {  	_ =	shalt  }
0x3f: {  	_ =	shalt  }
0x40: {  	_ =	shalt  }
0x41: {  	_ =	shalt  }
0x42: {  	_ =	shalt  }
0x43: {  	_ =	shalt  }
0x44: {  	_ =	shalt  }
0x45: {  	_ =	shalt  }
0x46: {  	_ =	shalt  }
0x47: {  	_ =	shalt  }
0x48: {  	_ =	shalt  }
0x49: {  	_ =	shalt  }
0x4a: {  	_ =	shalt  }
0x4b: {  	_ =	shalt  }
0x4c: {  	_ =	shalt  }
0x4d: {  	_ =	shalt  }
0x4e: {  	_ =	shalt  }
0x4f: {  	_ =	shalt  }
0x50: {  	_ =	shalt  }
0x51: {  	_ =	shalt  }
0x52: {  	_ =	shalt  }
0x53: {  	_ =	shalt  }
0x54: {  	_ =	shalt  }
0x55: {  	_ =	shalt  }
0x56: {  	_ =	shalt  }
0x57: {  	_ =	shalt  }
0x58: {  	_ =	shalt  }
0x59: {  	_ =	shalt  }
0x5a: {  	_ =	shalt  }
0x5b: {  	_ =	shalt  }
0x5c: {  	_ =	shalt  }
0x5d: {  	_ =	shalt  }
0x5e: {  	_ =	shalt  }
0x5f: {  	_ =	shalt  }
0x60: {  	_ =	shalt  }
0x61: {  	_ =	shalt  }
0x62: {  	_ =	shalt  }
0x63: {  	_ =	shalt  }
0x64: {  	_ =	shalt  }
0x65: {  	_ =	shalt  }
0x66: {  	_ =	shalt  }
0x67: {  	_ =	shalt  }
0x68: {  	_ =	shalt  }
0x69: {  	_ =	shalt  }
0x6a: {  	_ =	shalt  }
0x6b: {  	_ =	shalt  }
0x6c: {  	_ =	shalt  }
0x6d: {  	_ =	shalt  }
0x6e: {  	_ =	shalt  }
0x6f: {  	_ =	shalt  }
0x70: {  	_ =	shalt  }
0x71: {  	_ =	shalt  }
0x72: {  	_ =	shalt  }
0x73: {  	_ =	shalt  }
0x74: {  	_ =	shalt  }
0x75: {  	_ =	shalt  }
0x76: {  	_ =	shalt  }
0x77: {  	_ =	shalt  }
0x78: {  	_ =	shalt  }
0x79: {  	_ =	shalt  }
0x7a: {  	_ =	shalt  }
0x7b: {  	_ =	shalt  }
0x7c: {  	_ =	shalt  }
0x7d: {  	_ =	shalt  }
0x7e: {  	_ =	shalt  }
0x7f: {  	_ =	shalt  }
0x80: {  	_ =	shalt  }
0x81: {  	_ =	shalt  }
0x82: {  	_ =	shalt  }
0x83: {  	_ =	shalt  }
0x84: {  	_ =	shalt  }
0x85: {  	_ =	shalt  }
0x86: {  	_ =	shalt  }
0x87: {  	_ =	shalt  }
.Lfunc_end0:
.L_simem_size_0:
called_computation.1_lowered:
.L_overlay_start_0:
0x88: {  	s2 =	sld [smem:$0x3FD9]  }
0x89: {  	s3 =	sld [smem:$0x3FFE];
	_ =	sdelay $0x1  }
0x8a: {  	s1 =	srdreg.scid  }
0x8b: {  	s0 =	sand.u32 $0x1, s1  }
0x8c: {  	s16 =	sshll.u32 s0, $0xA;
	s2 =	sadd.s32 s3, s2  }
0x8d: {  	s2 =	sadd.s32 s2, s16  }
0x8e: {  	[smem:$0x3FBF] =	sst s2  }
0x8f: {  	_ = 	snop  }
0x90: {  	(tm) =	ssettm $0x1  }
0x91: {  	s17 =	sld [smem:$0x3FFB];
	_ =	sdelay $0x3  }
0x92: {  	_ =	strace s17  }
0x93: {  	s2 =	sld [smem:$0x3FFC];
	_ =	sdelay $0x3  }
0x94: {  	_ =	strace s2  }
0x95: {  	s2 =	sld [smem:$0x3FFD];
	_ =	sdelay $0x3  }
0x96: {  	_ =	strace s2  }
0x97: {  	_ =	strace $0x8FFFFFFF  }
0x98: {  	s18 =	sld [smem:$0x3FDB];
	_ =	sdelay $0x1  }
0x99: {  	s19 =	simm.s32 $_scs_section_size  }
0x9a: {  	s4 =	simm.s32 $_size__tile_overlayer_lowered;
	s5 =	simm.s32 $_tile_overlayer_lowered  }
0x9b: {  	s22 =	simm.s32 $0x1BFF;
	s21 =	sshll.u32 s5, $0x1;
	s2 =	sadd.s32 s19, s18  }
0x9c: {  	s6 =	simm.s32 $0x0;
	s20 =	sshll.u32 s4, $0x1;
	s4 =	sadd.s32 s21, s2  }
0x9d: {  	[timem:s6], [sflag:s22] =	dma.local [hbm:s4], s20  }
0x9e: {  	_ =	swait.ge [sflag:s22], s20  }
0x9f: {  	s3 =	ssub.s32 $0x0, s20;
	[sflag:s22] =	ssyncset.done $0x0  }
0xa0: {  	[sflag:s22] =	ssyncadd.s32 s3;
	_ =	sdelay $0x1  }
0xa1: {  	s23 =	simm.s32 $0x1B8B  }
0xa2: {  	_ =	swait.ge [sflag:s23], $0x1  }
0xa3: {  	[sflag:s23] =	ssyncset.done $0x0  }
0xa4: {  	s25 =	simm.s32 $0x1B8E;
	s24 =	sld [smem:$0x3FFE];
	[sflag:s23] =	ssyncadd.s32 $0xFFFFFFFF  }
0xa5: {  	s26 =	simm.s32 $execute0_lowered;
	[smem:$0x3FD2] =	sst s25  }
0xa6: {  	s4 =	sshll.u32 s26, $0x1;
	_ =	strace $0x80000049;
	[dreg:$0x1] =	wrdreg $0xFFFFFFFF  }
0xa7: {  	s28 =	simm.s32 $_size_execute0_lowered;
	s2 =	sadd.s32 s2, s4;
	[dreg:$0x0] =	wrdreg $0x0  }
0xa8: {  	s4 =	sshll.u32 s28, $0x1;
	[dreg:$0x2] =	wrdreg s2  }
0xa9: {  	[dreg:$0x3] =	wrdreg s4  }
0xaa: {  	[dreg:$0x4] =	wrdreg $0xC0  }
0xab: {  	_ =	task [dreg:s6], $0x5FFFF  }
0xac: {  	[dreg:$0x1] =	wrdreg $0xFFFFFFFF  }
0xad: {  	[dreg:$0x0] =	wrdreg $0x60  }
0xae: {  	[dreg:$0x2] =	wrdreg s24  }
0xaf: {  	[dreg:$0x3] =	wrdreg $0x8D000  }
0xb0: {  	[dreg:$0x4] =	wrdreg $0x9  }
0xb1: {  	_ =	task.clear_ibuf [dreg:s6], $0x5FFFF;
	_ =	strace $0x90000049  }
0xb2: {  	s29 =	simm.s32 $0x9;
	_ =	strace $0x8000004B  }
0xb3: {  	_ =	swait.ge [sflag:s29], $0x1  }
0xb4: {  	[sflag:s29] =	ssyncadd.s32 $0xFFFFFFFF  }
0xb5: {  	_ =	strace $0x9000004B  }
0xb6: {  	_ =	sfence  }
0xb7: {  	s30 =	sld [smem:$0x0];
	_ =	sdelay $0x2  }
0xb8: {  	s31 =	sshll.u32 s1, $0xD;
	s1 =	sshrl.u32 s1, $0x2  }
0xb9: {  	s3 =	sand.u32 $0x4000, s31;
	s1 =	sadd.s32 s1, s30  }
0xba: {  	s0 =	sor.u32 s3, s0;
	s1 =	sshll.u32 s1, $0x11  }
0xbb: {  	s0 =	sor.u32 s1, s0  }
0xbc: {  	s0 =	sadd.s32 $0x8F2B, s0  }
0xbd: {  	[sflag:s0] =	ssyncadd.remote.s32 $0x1  }
0xbe: {  	_ =	sfence.sel $0xFFFF  }
0xbf: {  	[dreg:$0x0] =	wrdreg $0xFFFFFFFF;
	(pc) =	sbr.abs _section_cstart, $3  }
0xc0: {  	[dreg:$0x1] =	wrdreg $0xFFFFFFFF  }
0xc1: {  	_ =	task.clear_ibuf [dreg:s6], $0x2FFFF;
	_ =	strace $0x9FFFFFFF  }
0xc2: {  	(tm) =	ssettm $0x7FFFFFFF  }
0xc3: {  	_ =	shalt  }
tec
execute0_lowered:
.L_overlay_start_1:
0x0: {  	(tag) =	ssettag $0x1  }
0x1: {  	s0 =	srdreg.scid;
	s9 =	rddreg [dreg:$0x0]  }
0x2: {  	s2 =	rddreg [dreg:$0x1];
	s8 =	sand.u32 $0x1, s0  }
0x3: {  	s0 =	stileid.u32;
	s4 =	smul.u32 $0x27100, s8  }
0x4: {  	s1 =	rddreg [dreg:$0x2];
	s5 =	smul.u32 $0x2710, s0  }
0x5: {  	s3 =	simm.s32 $0x0;
	s19 =	simm.s32 $0x50;
	s25 =	smul.u32 $0x19000, s0  }
0x6: {  	s20 =	simm.s32 $0x100;
	s10 =	sor.u32 $0x10, s0;
	s16 =	smul.u32 $0xC80, s0  }
0x7: {  	s21 =	simm.s32 $0x1;
	s11 =	sor.u32 $0x20, s0;
	s7 =	smul.u32 $0x19000, s10  }
0x8: {  	[smem:$0x7FF] =	sst s3;
	s14 =	sor.u32 $0x30, s0;
	s13 =	smul.u32 $0x19000, s11  }
0x9: {  	s22 =	simm.s32 $0x0;
	_ =	strace $0x8000004A;
	s29 =	smul.u32 $0x19000, s14  }
0xa: {  	s6 =	ssub.s32 $0x2, s8;
	p0 =	seq.s32 s8, $0x1;
	s17 =	smul.u32 $0xC80, s10  }
0xb: {  	s12 =	sshrl.u32 s6, $0x1;
	s10 =	simm.s32 $0xB5400;
	s31 =	smul.u32 $0xC80, s11  }
0xc: {  	s14 =	smul.u32 $0xC80, s14;
	s5 =	sadd.s32 s5, s4;
	s4 =	sadd.s32 $0x67000, s9  }
0xd: {  	s12 =	ssub.s32 s6, s12;
	s10 =	simm.s32 @!p0 $0x8E200;
	p0 =	sgt.u32 s0, $0x1  }
0xe: {  	s5 =	sshrl.u32 s5, $0x3;
	s26 =	sshrl.u32 s7, $0x2;
	s28 =	sshrl.u32 s13, $0x2  }
0xf: {  	s30 =	sshrl.u32 s29, $0x2;
	s18 =	sadd.s32 s10, s9;
	s15 =	sadd.s32 s5, s9  }
0x10: {  	s5 =	sshrl.u32 s25, $0x2;
	s6 =	sadd.s32 s26, s2;
	s7 =	sadd.s32 s28, s2  }
0x11: {  	s8 =	sadd.s32 s30, s2;
	s9 =	smax.u32 s12, $0x1;
	s10 =	sadd.s32 s18, s16  }
0x12: {  	s11 =	sadd.s32 s18, s17;
	s12 =	sadd.s32 s18, s31;
	s13 =	sadd.s32 s18, s14  }
0x13: {  	s16 =	simm.s32 $0x2900;
	s17 =	simm.s32 $0x2;
	s18 =	simm.s32 $0x80  }
0x14: {  	v0 =	vimm.f32 $0.0e+00;
	s5 =	sadd.s32 s5, s2;
	s14 =	sadd.s32 $0xE200, s15;
	s15 =	sadd.s32 $0x4400, s15  }
.LBB2_1:
0x15: {  	s23 =	simm.s32 $0x70;
	s24 =	simm.s32 $0x3C0  }
.LBB2_2:
0x16: {  	p1 =	sne.s32 s24, $0x18FC0;
	[tilespmem:s23+$0x2900] =	vst v0  }
0x17: {  	[tilespmem:s23+$0x2890] =	vst v0  }
0x18: {  	[tilespmem:s23+$0x28A0] =	vst v0  }
.Ltmp0:
0x19: {  	[tilespmem:s23+$0x28B0] =	vst v0;
	(pc) =	sbr.rel @p1 .LBB2_2-.Ltmp0, $4  }
0x1a: {  	[tilespmem:s23+$0x28C0] =	vst v0  }
0x1b: {  	[tilespmem:s23+$0x28D0] =	vst v0  }
0x1c: {  	[tilespmem:s23+$0x28E0] =	vst v0  }
0x1d: {  	[tilespmem:s23+$0x28F0] =	vst v0;
	s23 =	sshra.s32 s24, $0x2;
	s24 =	sadd.s32 $0x200, s24  }
0x1e: {  	[tilespmem:s23+$0x2900] =	vst v0  }
0x1f: {  	[tilespmem:s23+$0x2890] =	vst v0  }
0x20: {  	[tilespmem:s23+$0x28A0] =	vst v0  }
0x21: {  	[tilespmem:s23+$0x28B0] =	vst v0  }
0x22: {  	[tilespmem:s23+$0x28C0] =	vst v0  }
0x23: {  	[tilespmem:s23+$0x28D0] =	vst v0  }
0x24: {  	[tilespmem:s23+$0x28E0] =	vst v0  }
0x25: {  	[tilespmem:s23+$0x28F0] =	vst v0  }
0x26: {  	[spmem:s5] =	stream.linear.scatter [tilespmem:s16], [sflag:$0x2], $0x6400, $0x38;
	[tilespmem:$0x1C580] =	vst v63  }
0x27: {  	_ =	swait.ge [sflag:s17], $0x6400  }
0x28: {  	[sflag:s17] =	ssyncset.done $0x0  }
0x29: {  	[sflag:s17] =	ssyncadd.s32 $0xFFFF9C00  }
0x2a: {  	[spmem:s6] =	stream.linear.scatter [tilespmem:s16], [sflag:$0x2], $0x6400, $0x38;
	[tilespmem:$0x1C580] =	vst v63  }
0x2b: {  	_ =	swait.ge [sflag:s17], $0x6400  }
0x2c: {  	[sflag:s17] =	ssyncset.done $0x0  }
0x2d: {  	[sflag:s17] =	ssyncadd.s32 $0xFFFF9C00  }
0x2e: {  	[spmem:s7] =	stream.linear.scatter [tilespmem:s16], [sflag:$0x2], $0x6400, $0x38;
	[tilespmem:$0x1C580] =	vst v63  }
0x2f: {  	_ =	swait.ge [sflag:s17], $0x6400  }
0x30: {  	[sflag:s17] =	ssyncset.done $0x0  }
0x31: {  	s23 =	simm.s32 @!p0 $0x2900;
	[sflag:s17] =	ssyncadd.s32 $0xFFFF9C00  }
0x32: {  	[spmem:s8] =	stream.linear.scatter @!p0 [tilespmem:s23], [sflag:$0x2], $0x6400, $0x38;
	[tilespmem:$0x1C580] =	vst v63  }
0x33: {  	s23 =	simm.s32 @!p0 $0x2  }
0x34: {  	_ =	swait.ge @!p0 [sflag:s23], $0x6400  }
0x35: {  	[sflag:s23] =	ssyncset.done @!p0 $0x0  }
0x36: {  	[sflag:s23] =	ssyncadd.s32 @!p0 $0xFFFF9C00  }
0x37: {  	s30 =	sadd.s32 $0x0, s15;
	[bflag:$0x0] =	sbarrier.arrive $0xFFFF  }
0x38: {  	[tilespmem:s3], [sflag:$0x2] =	stream.linear.gather [hbm4b:s30+s3], $0x50, $0x38;
	[tilespmem:$0x1C580] =	vst v63  }
0x39: {  	_ =	swait.ge [sflag:s17], $0x50  }
0x3a: {  	[sflag:s17] =	ssyncset.done $0x0  }
0x3b: {  	s31 =	sadd.s32 $0x0, s14;
	[sflag:s17] =	ssyncadd.s32 $0xFFFFFFB0  }
0x3c: {  	[tilespmem:s18], [sflag:$0x2] =	stream.linear.gather [hbm4b:s31+s3], $0x50, $0x38;
	[tilespmem:$0x1C580] =	vst v63  }
0x3d: {  	_ =	swait.ge [sflag:s17], $0x50  }
0x3e: {  	[sflag:s17] =	ssyncset.done $0x0  }
0x3f: {  	[sflag:s17] =	ssyncadd.s32 $0xFFFFFFB0  }
0x40: {  	[tilespmem:s20], [sflag:$0x1] =	stream.indirect.gather [hbm4b:s4+s19], $0x80, s3, s19, $0xb8;
	[tilespmem:$0x1C580] =	vst v63  }
0x41: {  	_ =	swait.ge [sflag:s21], $0x2800  }
0x42: {  	[sflag:s21] =	ssyncset.done $0x0  }
0x43: {  	[sflag:s21] =	ssyncadd.s32 $0xFFFFD800  }
0x44: {  	[spmem:s2] =	stream.indirect.scatter.add.f32 [tilespmem:s20], [sflag:$0x2], $0x80, s18, s19, $0xb8;
	[tilespmem:$0x1C580] =	vst v63  }
0x45: {  	_ =	swait.ge [sflag:s17], $0x2800  }
0x46: {  	s24 =	simm.s32 $0x14;
	s23 =	simm.s32 $0xA;
	[sflag:s17] =	ssyncset.done $0x0  }
.LBB2_4:
0x47: {  	s25 =	sadd.s32 s23, s15  }
0x48: {  	[sflag:s17] =	ssyncadd.s32 $0xFFFFD800;
	s26 =	smov.u32 s24;
	s28 =	sadd.s32 $0xA, s24  }
0x49: {  	[tilespmem:s3], [sflag:$0x2] =	stream.linear.gather [hbm4b:s25+s3], $0x50, $0x38;
	[tilespmem:$0x1C580] =	vst v63  }
0x4a: {  	p1 =	sne.s32 s24, $0x4D8;
	_ =	swait.ge [sflag:s17], $0x50  }
0x4b: {  	[sflag:s17] =	ssyncset.done $0x0  }
0x4c: {  	s24 =	sadd.s32 s23, s14;
	s23 =	smov.u32 s26;
	[sflag:s17] =	ssyncadd.s32 $0xFFFFFFB0  }
0x4d: {  	[tilespmem:s18], [sflag:$0x2] =	stream.linear.gather [hbm4b:s24+s3], $0x50, $0x38;
	[tilespmem:$0x1C580] =	vst v63  }
0x4e: {  	_ =	swait.ge [sflag:s17], $0x50  }
0x4f: {  	[sflag:s17] =	ssyncset.done $0x0  }
0x50: {  	[sflag:s17] =	ssyncadd.s32 $0xFFFFFFB0  }
0x51: {  	[tilespmem:s20], [sflag:$0x1] =	stream.indirect.gather [hbm4b:s4+s19], $0x80, s3, s19, $0xb8;
	[tilespmem:$0x1C580] =	vst v63  }
0x52: {  	_ =	swait.ge [sflag:s21], $0x2800  }
.Ltmp1:
0x53: {  	[sflag:s21] =	ssyncset.done $0x0;
	(pc) =	sbr.rel @p1 .LBB2_4-.Ltmp1, $4  }
0x54: {  	[sflag:s21] =	ssyncadd.s32 $0xFFFFD800  }
0x55: {  	[spmem:s2] =	stream.indirect.scatter.add.f32 [tilespmem:s20], [sflag:$0x2], $0x80, s18, s19, $0xb8;
	[tilespmem:$0x1C580] =	vst v63  }
0x56: {  	_ =	swait.ge [sflag:s17], $0x2800  }
0x57: {  	s24 =	smov.u32 s28;
	[sflag:s17] =	ssyncset.done $0x0  }
0x58: {  	s24 =	sadd.s32 s23, s15;
	[sflag:s17] =	ssyncadd.s32 $0xFFFFD800  }
0x59: {  	[tilespmem:s3], [sflag:$0x2] =	stream.linear.gather [hbm4b:s24+s3], $0x50, $0x38;
	[tilespmem:$0x1C580] =	vst v63  }
0x5a: {  	_ =	swait.ge [sflag:s17], $0x50  }
0x5b: {  	[sflag:s17] =	ssyncset.done $0x0  }
0x5c: {  	s31 =	sadd.s32 s23, s14;
	[sflag:s17] =	ssyncadd.s32 $0xFFFFFFB0  }
0x5d: {  	[tilespmem:s18], [sflag:$0x2] =	stream.linear.gather [hbm4b:s31+s3], $0x50, $0x38;
	[tilespmem:$0x1C580] =	vst v63  }
0x5e: {  	_ =	swait.ge [sflag:s17], $0x50  }
0x5f: {  	[sflag:s17] =	ssyncset.done $0x0  }
0x60: {  	[sflag:s17] =	ssyncadd.s32 $0xFFFFFFB0  }
0x61: {  	[tilespmem:s20], [sflag:$0x1] =	stream.indirect.gather [hbm4b:s4+s19], $0x80, s3, s19, $0xb8;
	[tilespmem:$0x1C580] =	vst v63  }
0x62: {  	_ =	swait.ge [sflag:s21], $0x2800  }
0x63: {  	[sflag:s21] =	ssyncset.done $0x0  }
0x64: {  	[sflag:s21] =	ssyncadd.s32 $0xFFFFD800  }
0x65: {  	[spmem:s2] =	stream.indirect.scatter.add.f32 [tilespmem:s20], [sflag:$0x2], $0x80, s18, s19, $0xb8;
	[tilespmem:$0x1C580] =	vst v63  }
0x66: {  	_ =	swait.ge [sflag:s17], $0x2800  }
0x67: {  	[sflag:s17] =	ssyncset.done $0x0  }
0x68: {  	[sflag:s17] =	ssyncadd.s32 $0xFFFFD800  }
0x69: {  	[bflag:$0x0] =	sbarrier.arrive $0xFFFF  }
0x6a: {  	[tilespmem:s16], [sflag:$0x2] =	stream.linear.gather [spmem:s5], $0x6400, $0x38;
	[tilespmem:$0x1C580] =	vst v63  }
0x6b: {  	_ =	swait.ge [sflag:s17], $0x6400  }
0x6c: {  	[sflag:s17] =	ssyncset.done $0x0  }
0x6d: {  	[sflag:s17] =	ssyncadd.s32 $0xFFFF9C00  }
0x6e: {  	[hbm4b:s10+s3] =	stream.linear.scatter [tilespmem:s16], [sflag:$0x2], $0x6400, $0x38;
	[tilespmem:$0x1C580] =	vst v63  }
0x6f: {  	_ =	swait.ge [sflag:s17], $0x6400  }
0x70: {  	[sflag:s17] =	ssyncset.done $0x0  }
0x71: {  	[sflag:s17] =	ssyncadd.s32 $0xFFFF9C00  }
0x72: {  	[tilespmem:s16], [sflag:$0x2] =	stream.linear.gather [spmem:s6], $0x6400, $0x38;
	[tilespmem:$0x1C580] =	vst v63  }
0x73: {  	_ =	swait.ge [sflag:s17], $0x6400  }
0x74: {  	[sflag:s17] =	ssyncset.done $0x0  }
0x75: {  	[sflag:s17] =	ssyncadd.s32 $0xFFFF9C00  }
0x76: {  	[hbm4b:s11+s3] =	stream.linear.scatter [tilespmem:s16], [sflag:$0x2], $0x6400, $0x38;
	[tilespmem:$0x1C580] =	vst v63  }
0x77: {  	_ =	swait.ge [sflag:s17], $0x6400  }
0x78: {  	[sflag:s17] =	ssyncset.done $0x0  }
0x79: {  	[sflag:s17] =	ssyncadd.s32 $0xFFFF9C00  }
0x7a: {  	[tilespmem:s16], [sflag:$0x2] =	stream.linear.gather [spmem:s7], $0x6400, $0x38;
	[tilespmem:$0x1C580] =	vst v63  }
0x7b: {  	_ =	swait.ge [sflag:s17], $0x6400  }
0x7c: {  	[sflag:s17] =	ssyncset.done $0x0  }
0x7d: {  	[sflag:s17] =	ssyncadd.s32 $0xFFFF9C00  }
0x7e: {  	[hbm4b:s12+s3] =	stream.linear.scatter [tilespmem:s16], [sflag:$0x2], $0x6400, $0x38;
	[tilespmem:$0x1C580] =	vst v63  }
0x7f: {  	_ =	swait.ge [sflag:s17], $0x6400  }
0x80: {  	[sflag:s17] =	ssyncset.done $0x0  }
0x81: {  	s23 =	simm.s32 @!p0 $0x2900;
	s24 =	simm.s32 @!p0 $0x2;
	[sflag:s17] =	ssyncadd.s32 $0xFFFF9C00  }
0x82: {  	[tilespmem:s23], [sflag:$0x2] =	stream.linear.gather @!p0 [spmem:s8], $0x6400, $0x38;
	[tilespmem:$0x1C580] =	vst v63  }
0x83: {  	s22 =	sadd.s32 $0x1, s22;
	_ =	swait.ge @!p0 [sflag:s24], $0x6400  }
0x84: {  	p1 =	sne.s32 s22, s9;
	[sflag:s24] =	ssyncset.done @!p0 $0x0  }
.Ltmp2:
0x85: {  	s25 =	simm.s32 @!p0 $0x0;
	[sflag:s24] =	ssyncadd.s32 @!p0 $0xFFFF9C00;
	(pc) =	sbr.rel @p1 .LBB2_1-.Ltmp2, $4  }
0x86: {  	[hbm4b:s13+s25] =	stream.linear.scatter @!p0 [tilespmem:s23], [sflag:$0x2], $0x6400, $0x38;
	[tilespmem:$0x1C580] =	vst v63  }
0x87: {  	_ =	swait.ge @!p0 [sflag:s24], $0x6400  }
0x88: {  	[sflag:s24] =	ssyncset.done @!p0 $0x0  }
0x89: {  	[sflag:s24] =	ssyncadd.s32 @!p0 $0xFFFF9C00  }
0x8a: {  	_ =	sfence.sel $0x180000  }
0x8b: {  	[bflag:$0x0] =	sbarrier.arrive $0xFFFF  }
0x8c: {  	p0 =	sne.s32 s0, $0x0;
	_ =	strace $0x9000004A  }
0x8d: {  	s0 =	sadd.s32 @!p0 $0x100000, s1;
	[bflag:$0x2] =	sbarrier.arrive $0xFFFF  }
0x8e: {  	[sflag:s0] =	ssyncadd.tile.s32 @!p0 $0x1;
	_ =	shalt  }
.Lfunc_end2:
_tile_overlayer_lowered:
.L_overlay_start_2:
0x8f: {  	(tag) =	ssettag $0x2  }
0x90: {  	s0 =	rddreg [dreg:$0x0];
	s2 =	stileid.u32  }
0x91: {  	s1 =	rddreg [dreg:$0x1];
	p0 =	sne.s32 s2, $0x0  }
0x92: {  	s3 =	rddreg [dreg:$0x2];
	[bflag:$0x3] =	sbarrier.arrive $0xFFFF;
	s2 =	simm.s32 @!p0 $0x1C02  }
0x93: {  	[timem:s3], [sflag:s2] =	dma.local @!p0 [hbm:s0], s1  }
0x94: {  	s0 =	simm.s32 @!p0 $0x2  }
0x95: {  	_ =	swait.ge @!p0 [sflag:s0], s1  }
0x96: {  	s1 =	ssub.s32 @!p0 $0x0, s1;
	[sflag:s0] =	ssyncset.done @!p0 $0x0  }
0x97: {  	[sflag:s0] =	ssyncadd.s32 @!p0 s1  }
0x98: {  	[bflag:$0x3] =	sbarrier.arrive $0xFFFF  }
0x99: {  	_ =	shalt  }

// kernel: kernel.14.cloned.1.call-start
scs
__scs_entry_jumppad:
0x0: {  	(pc) =	sbr.rel $0x88, $3  }
0x1: {  	(tag) =	ssettag $0x0;
	lr =	simm.s32 $0x1  }
0x2: {  	[smem:$0x3F98] =	sst lr;
	_ =	strace $0xD0000000  }
0x3: {  	_ = 	snop  }
0x4: {  	_ = 	snop  }
0x5: {  	_ = 	snop  }
0x6: {  	_ = 	snop  }
0x7: {  	_ = 	snop  }
__scs_overlays_trampoline_lowered:
0x8: {  	[smem:$0x3FA7] =	sst s0  }
0x9: {  	[smem:$0x3FA8] =	sst s1  }
0xa: {  	[smem:$0x3FA9] =	sst s2  }
0xb: {  	[smem:$0x3FAA] =	sst s3  }
0xc: {  	[smem:$0x3FAB] =	sst s4  }
0xd: {  	[smem:$0x3FAC] =	sst s5  }
0xe: {  	[smem:$0x3FAD] =	sst s6  }
0xf: {  	[smem:$0x3FAE] =	sst s7  }
0x10: {  	[smem:$0x3FAF] =	sst s8  }
0x11: {  	[smem:$0x3FB0] =	sst s9;
	s0 =	simm.s32 @!p0 $0x0  }
0x12: {  	s1 =	sld [smem:$0x3F96];
	s0 =	simm.s32 @p0 $0x1  }
0x13: {  	[smem:$0x3FB1] =	sst s0;
	s0 =	simm.s32 @!p1 $0x0  }
0x14: {  	s2 =	sld [smem:$0x3F95];
	s0 =	simm.s32 @p1 $0x1  }
0x15: {  	[smem:$0x3FB2] =	sst s0;
	s0 =	simm.s32 @!p2 $0x0  }
0x16: {  	s3 =	sld [smem:$0x3FDB];
	s0 =	simm.s32 @p2 $0x1  }
0x17: {  	s4 =	simm.s32 $0x1BF5;
	[smem:$0x3FB4] =	sst s0  }
0x18: {  	s0 =	sld [smem:$0x3F97];
	_ =	swait.ge [sflag:s4], $0x0  }
0x19: {  	s7 =	sld [smem:$0x3F98]  }
0x1a: {  	s8 =	sadd.s32 $0xFFFFE003, lr  }
0x1b: {  	s9 =	sadd.s32 $0xFFFFFEF7, lr;
	s5 =	simm.s32 $0xFFFFFFFF;
	p2 =	slt.u32 s8, $0xFFFFF086  }
0x1c: {  	p1 =	slt.u32 s9, $0xF7A;
	s5 =	simm.s32 @!p2 $0x0  }
0x1d: {  	s5 =	simm.s32 @p1 $0x1;
	p0 =	seq.s32 s7, s2  }
0x1e: {  	s7 =	smul.u32 @!p0 $0xF7A, s2;
	p2 =	seq.s32 @!p0 s5, $0x0  }
0x1f: {  	s9 =	smul.u32 $0xF7A, s1;
	s8 =	simm.s32 @!p0 $0x1BF5;
	p2 =	por !p2, p0  }
0x20: {  	[sflag:s8] =	ssyncset.s32 @!p0 $0xFFFFF086;
	s6 =	sadd.s32 @!p0 s3, s7;
	s7 =	simm.s32 @!p0 $0x108  }
0x21: {  	s3 =	sadd.s32 s3, s9;
	s6 =	sadd.s32 @!p0 $0x88, s6;
	s7 =	simm.s32 @p2 $0x1082  }
0x22: {  	[simem:s7], [sflag:s8] =	dma.local @!p0 [hbm:s6], $0xF7A  }
0x23: {  	s9 =	sor.u32 $0xD0000000, s2;
	s6 =	simm.s32 $0x108;
	_ =	swait.ge @!p0 [sflag:s8], $0x0  }
0x24: {  	s3 =	sadd.s32 $0x88, s3;
	s6 =	simm.s32 @!p1 $0x1082;
	[sflag:s4] =	ssyncset.s32 $0xFFFFF086  }
0x25: {  	[simem:s6], [sflag:s4] =	dma.local [hbm:s3], $0xF7A  }
0x26: {  	[smem:$0x3F98] =	sst s1;
	(tag) =	ssettag s2;
	_ =	strace s9  }
0x27: {  	s1 =	sld [smem:$0x3FA8]  }
0x28: {  	s2 =	sld [smem:$0x3FA9]  }
0x29: {  	s4 =	sld [smem:$0x3FAB]  }
0x2a: {  	p0 =	seq.s32 s5, $0x0;
	s5 =	sld [smem:$0x3FAC]  }
0x2b: {  	s6 =	sld [smem:$0x3FAD]  }
0x2c: {  	s7 =	sld [smem:$0x3FAE]  }
0x2d: {  	s3 =	simm.s32 $0x108;
	s8 =	sld [smem:$0x3FAF]  }
0x2e: {  	s3 =	simm.s32 @!p0 $0x1082;
	s9 =	sld [smem:$0x3FB0]  }
0x2f: {  	lr =	sadd.s32 s0, s3;
	s0 =	sld [smem:$0x3FA7]  }
0x30: {  	s3 =	sld [smem:$0x3FAA]  }
0x31: {  	[smem:$0x3FB3] =	sst s10  }
0x32: {  	s10 =	sld [smem:$0x3FB1];
	_ =	sdelay $0x3  }
0x33: {  	p0 =	seq.s32 s10, $0x1;
	s10 =	sld [smem:$0x3FB3];
	_ =	sdelay $0x3  }
0x34: {  	[smem:$0x3FB3] =	sst s10  }
0x35: {  	s10 =	sld [smem:$0x3FB2];
	_ =	sdelay $0x3  }
0x36: {  	p1 =	seq.s32 s10, $0x1;
	s10 =	sld [smem:$0x3FB3];
	_ =	sdelay $0x3  }
0x37: {  	[smem:$0x3FB3] =	sst s10  }
0x38: {  	s10 =	sld [smem:$0x3FB4]  }
0x39: {  	_ = 	snop;
	(pc) =	sbr.ind lr, $3  }
0x3a: {  	_ = 	snop  }
0x3b: {  	_ = 	snop  }
0x3c: {  	p2 =	seq.s32 s10, $0x1;
	s10 =	sld [smem:$0x3FB3]  }
0x3d: {  	_ =	shalt  }
0x3e: {  	_ =	shalt  }
0x3f: {  	_ =	shalt  }
0x40: {  	_ =	shalt  }
0x41: {  	_ =	shalt  }
0x42: {  	_ =	shalt  }
0x43: {  	_ =	shalt  }
0x44: {  	_ =	shalt  }
0x45: {  	_ =	shalt  }
0x46: {  	_ =	shalt  }
0x47: {  	_ =	shalt  }
0x48: {  	_ =	shalt  }
0x49: {  	_ =	shalt  }
0x4a: {  	_ =	shalt  }
0x4b: {  	_ =	shalt  }
0x4c: {  	_ =	shalt  }
0x4d: {  	_ =	shalt  }
0x4e: {  	_ =	shalt  }
0x4f: {  	_ =	shalt  }
0x50: {  	_ =	shalt  }
0x51: {  	_ =	shalt  }
0x52: {  	_ =	shalt  }
0x53: {  	_ =	shalt  }
0x54: {  	_ =	shalt  }
0x55: {  	_ =	shalt  }
0x56: {  	_ =	shalt  }
0x57: {  	_ =	shalt  }
0x58: {  	_ =	shalt  }
0x59: {  	_ =	shalt  }
0x5a: {  	_ =	shalt  }
0x5b: {  	_ =	shalt  }
0x5c: {  	_ =	shalt  }
0x5d: {  	_ =	shalt  }
0x5e: {  	_ =	shalt  }
0x5f: {  	_ =	shalt  }
0x60: {  	_ =	shalt  }
0x61: {  	_ =	shalt  }
0x62: {  	_ =	shalt  }
0x63: {  	_ =	shalt  }
0x64: {  	_ =	shalt  }
0x65: {  	_ =	shalt  }
0x66: {  	_ =	shalt  }
0x67: {  	_ =	shalt  }
0x68: {  	_ =	shalt  }
0x69: {  	_ =	shalt  }
0x6a: {  	_ =	shalt  }
0x6b: {  	_ =	shalt  }
0x6c: {  	_ =	shalt  }
0x6d: {  	_ =	shalt  }
0x6e: {  	_ =	shalt  }
0x6f: {  	_ =	shalt  }
0x70: {  	_ =	shalt  }
0x71: {  	_ =	shalt  }
0x72: {  	_ =	shalt  }
0x73: {  	_ =	shalt  }
0x74: {  	_ =	shalt  }
0x75: {  	_ =	shalt  }
0x76: {  	_ =	shalt  }
0x77: {  	_ =	shalt  }
0x78: {  	_ =	shalt  }
0x79: {  	_ =	shalt  }
0x7a: {  	_ =	shalt  }
0x7b: {  	_ =	shalt  }
0x7c: {  	_ =	shalt  }
0x7d: {  	_ =	shalt  }
0x7e: {  	_ =	shalt  }
0x7f: {  	_ =	shalt  }
0x80: {  	_ =	shalt  }
0x81: {  	_ =	shalt  }
0x82: {  	_ =	shalt  }
0x83: {  	_ =	shalt  }
0x84: {  	_ =	shalt  }
0x85: {  	_ =	shalt  }
0x86: {  	_ =	shalt  }
0x87: {  	_ =	shalt  }
.Lfunc_end0:
.L_simem_size_0:
called_computation.2_lowered:
.L_overlay_start_0:
0x88: {  	s2 =	sld [smem:$0x3FD9]  }
0x89: {  	s3 =	sld [smem:$0x3FFE];
	_ =	sdelay $0x1  }
0x8a: {  	s1 =	srdreg.scid  }
0x8b: {  	s0 =	sand.u32 $0x1, s1  }
0x8c: {  	s16 =	sshll.u32 s0, $0xA;
	s2 =	sadd.s32 s3, s2  }
0x8d: {  	s2 =	sadd.s32 s2, s16  }
0x8e: {  	[smem:$0x3FBF] =	sst s2  }
0x8f: {  	_ = 	snop  }
0x90: {  	(tm) =	ssettm $0x1  }
0x91: {  	s17 =	sld [smem:$0x3FFB];
	_ =	sdelay $0x3  }
0x92: {  	_ =	strace s17  }
0x93: {  	s2 =	sld [smem:$0x3FFC];
	_ =	sdelay $0x3  }
0x94: {  	_ =	strace s2  }
0x95: {  	s2 =	sld [smem:$0x3FFD];
	_ =	sdelay $0x3  }
0x96: {  	_ =	strace s2  }
0x97: {  	_ =	strace $0x8FFFFFFF  }
0x98: {  	s18 =	sld [smem:$0x3FDB];
	_ =	sdelay $0x1  }
0x99: {  	s19 =	simm.s32 $_scs_section_size  }
0x9a: {  	s4 =	simm.s32 $_size__tile_overlayer_lowered;
	s5 =	simm.s32 $_tile_overlayer_lowered  }
0x9b: {  	s22 =	simm.s32 $0x1BFF;
	s21 =	sshll.u32 s5, $0x1;
	s2 =	sadd.s32 s19, s18  }
0x9c: {  	s6 =	simm.s32 $0x0;
	s20 =	sshll.u32 s4, $0x1;
	s4 =	sadd.s32 s21, s2  }
0x9d: {  	[timem:s6], [sflag:s22] =	dma.local [hbm:s4], s20  }
0x9e: {  	_ =	swait.ge [sflag:s22], s20  }
0x9f: {  	s3 =	ssub.s32 $0x0, s20;
	[sflag:s22] =	ssyncset.done $0x0  }
0xa0: {  	[sflag:s22] =	ssyncadd.s32 s3;
	_ =	sdelay $0x1  }
0xa1: {  	s23 =	simm.s32 $0x1B8B  }
0xa2: {  	_ =	swait.ge [sflag:s23], $0x1  }
0xa3: {  	[sflag:s23] =	ssyncset.done $0x0  }
0xa4: {  	s25 =	simm.s32 $0x1B8E;
	s24 =	sld [smem:$0x3FFE];
	[sflag:s23] =	ssyncadd.s32 $0xFFFFFFFF  }
0xa5: {  	s26 =	simm.s32 $execute0_lowered;
	[smem:$0x3FD2] =	sst s25  }
0xa6: {  	s4 =	sshll.u32 s26, $0x1;
	_ =	strace $0x8000004C;
	[dreg:$0x1] =	wrdreg $0xFFFFFFFF  }
0xa7: {  	s28 =	simm.s32 $_size_execute0_lowered;
	s2 =	sadd.s32 s2, s4;
	[dreg:$0x0] =	wrdreg $0x0  }
0xa8: {  	s4 =	sshll.u32 s28, $0x1;
	[dreg:$0x2] =	wrdreg s2  }
0xa9: {  	[dreg:$0x3] =	wrdreg s4  }
0xaa: {  	[dreg:$0x4] =	wrdreg $0xC0  }
0xab: {  	_ =	task [dreg:s6], $0x5FFFF  }
0xac: {  	[dreg:$0x1] =	wrdreg $0xFFFFFFFF  }
0xad: {  	[dreg:$0x0] =	wrdreg $0x60  }
0xae: {  	[dreg:$0x2] =	wrdreg s24  }
0xaf: {  	[dreg:$0x3] =	wrdreg $0x8D000  }
0xb0: {  	[dreg:$0x4] =	wrdreg $0x9  }
0xb1: {  	_ =	task.clear_ibuf [dreg:s6], $0x5FFFF;
	_ =	strace $0x9000004C  }
0xb2: {  	s29 =	simm.s32 $0x9;
	_ =	strace $0x8000004E  }
0xb3: {  	_ =	swait.ge [sflag:s29], $0x1  }
0xb4: {  	[sflag:s29] =	ssyncadd.s32 $0xFFFFFFFF  }
0xb5: {  	_ =	strace $0x9000004E  }
0xb6: {  	_ =	sfence  }
0xb7: {  	s30 =	sld [smem:$0x0];
	_ =	sdelay $0x2  }
0xb8: {  	s31 =	sshll.u32 s1, $0xD;
	s1 =	sshrl.u32 s1, $0x2  }
0xb9: {  	s3 =	sand.u32 $0x4000, s31;
	s1 =	sadd.s32 s1, s30  }
0xba: {  	s0 =	sor.u32 s3, s0;
	s1 =	sshll.u32 s1, $0x11  }
0xbb: {  	s0 =	sor.u32 s1, s0  }
0xbc: {  	s0 =	sadd.s32 $0x8F2B, s0  }
0xbd: {  	[sflag:s0] =	ssyncadd.remote.s32 $0x1  }
0xbe: {  	_ =	sfence.sel $0xFFFF  }
0xbf: {  	[dreg:$0x0] =	wrdreg $0xFFFFFFFF;
	(pc) =	sbr.abs _section_cstart, $3  }
0xc0: {  	[dreg:$0x1] =	wrdreg $0xFFFFFFFF  }
0xc1: {  	_ =	task.clear_ibuf [dreg:s6], $0x2FFFF;
	_ =	strace $0x9FFFFFFF  }
0xc2: {  	(tm) =	ssettm $0x7FFFFFFF  }
0xc3: {  	_ =	shalt  }
tec
execute0_lowered:
.L_overlay_start_1:
0x0: {  	(tag) =	ssettag $0x1  }
0x1: {  	s0 =	srdreg.scid;
	s9 =	rddreg [dreg:$0x0]  }
0x2: {  	s2 =	rddreg [dreg:$0x1];
	s8 =	sand.u32 $0x1, s0  }
0x3: {  	s0 =	stileid.u32;
	s4 =	smul.u32 $0x27100, s8  }
0x4: {  	s1 =	rddreg [dreg:$0x2];
	s5 =	smul.u32 $0x2710, s0  }
0x5: {  	s3 =	simm.s32 $0x0;
	s19 =	simm.s32 $0x50;
	s25 =	smul.u32 $0x19000, s0  }
0x6: {  	s20 =	simm.s32 $0x100;
	s10 =	sor.u32 $0x10, s0;
	s16 =	smul.u32 $0xC80, s0  }
0x7: {  	s21 =	simm.s32 $0x1;
	s11 =	sor.u32 $0x20, s0;
	s7 =	smul.u32 $0x19000, s10  }
0x8: {  	[smem:$0x7FF] =	sst s3;
	s14 =	sor.u32 $0x30, s0;
	s13 =	smul.u32 $0x19000, s11  }
0x9: {  	s22 =	simm.s32 $0x0;
	_ =	strace $0x8000004D;
	s29 =	smul.u32 $0x19000, s14  }
0xa: {  	s6 =	ssub.s32 $0x2, s8;
	p0 =	seq.s32 s8, $0x1;
	s17 =	smul.u32 $0xC80, s10  }
0xb: {  	s12 =	sshrl.u32 s6, $0x1;
	s10 =	simm.s32 $0xB5400;
	s31 =	smul.u32 $0xC80, s11  }
0xc: {  	s14 =	smul.u32 $0xC80, s14;
	s5 =	sadd.s32 s5, s4;
	s4 =	sadd.s32 $0x67000, s9  }
0xd: {  	s12 =	ssub.s32 s6, s12;
	s10 =	simm.s32 @!p0 $0x8E200;
	p0 =	sgt.u32 s0, $0x1  }
0xe: {  	s5 =	sshrl.u32 s5, $0x3;
	s26 =	sshrl.u32 s7, $0x2;
	s28 =	sshrl.u32 s13, $0x2  }
0xf: {  	s30 =	sshrl.u32 s29, $0x2;
	s18 =	sadd.s32 s10, s9;
	s15 =	sadd.s32 s5, s9  }
0x10: {  	s5 =	sshrl.u32 s25, $0x2;
	s6 =	sadd.s32 s26, s2;
	s7 =	sadd.s32 s28, s2  }
0x11: {  	s8 =	sadd.s32 s30, s2;
	s9 =	smax.u32 s12, $0x1;
	s10 =	sadd.s32 s18, s16  }
0x12: {  	s11 =	sadd.s32 s18, s17;
	s12 =	sadd.s32 s18, s31;
	s13 =	sadd.s32 s18, s14  }
0x13: {  	s16 =	simm.s32 $0x2900;
	s17 =	simm.s32 $0x2;
	s18 =	simm.s32 $0x80  }
0x14: {  	v0 =	vimm.f32 $0.0e+00;
	s5 =	sadd.s32 s5, s2;
	s14 =	sadd.s32 $0xE200, s15;
	s15 =	sadd.s32 $0x4400, s15  }
.LBB2_1:
0x15: {  	s23 =	simm.s32 $0x70;
	s24 =	simm.s32 $0x3C0  }
.LBB2_2:
0x16: {  	p1 =	sne.s32 s24, $0x18FC0;
	[tilespmem:s23+$0x2900] =	vst v0  }
0x17: {  	[tilespmem:s23+$0x2890] =	vst v0  }
0x18: {  	[tilespmem:s23+$0x28A0] =	vst v0  }
.Ltmp0:
0x19: {  	[tilespmem:s23+$0x28B0] =	vst v0;
	(pc) =	sbr.rel @p1 .LBB2_2-.Ltmp0, $4  }
0x1a: {  	[tilespmem:s23+$0x28C0] =	vst v0  }
0x1b: {  	[tilespmem:s23+$0x28D0] =	vst v0  }
0x1c: {  	[tilespmem:s23+$0x28E0] =	vst v0  }
0x1d: {  	[tilespmem:s23+$0x28F0] =	vst v0;
	s23 =	sshra.s32 s24, $0x2;
	s24 =	sadd.s32 $0x200, s24  }
0x1e: {  	[tilespmem:s23+$0x2900] =	vst v0  }
0x1f: {  	[tilespmem:s23+$0x2890] =	vst v0  }
0x20: {  	[tilespmem:s23+$0x28A0] =	vst v0  }
0x21: {  	[tilespmem:s23+$0x28B0] =	vst v0  }
0x22: {  	[tilespmem:s23+$0x28C0] =	vst v0  }
0x23: {  	[tilespmem:s23+$0x28D0] =	vst v0  }
0x24: {  	[tilespmem:s23+$0x28E0] =	vst v0  }
0x25: {  	[tilespmem:s23+$0x28F0] =	vst v0  }
0x26: {  	[spmem:s5] =	stream.linear.scatter [tilespmem:s16], [sflag:$0x2], $0x6400, $0x38;
	[tilespmem:$0x1C580] =	vst v63  }
0x27: {  	_ =	swait.ge [sflag:s17], $0x6400  }
0x28: {  	[sflag:s17] =	ssyncset.done $0x0  }
0x29: {  	[sflag:s17] =	ssyncadd.s32 $0xFFFF9C00  }
0x2a: {  	[spmem:s6] =	stream.linear.scatter [tilespmem:s16], [sflag:$0x2], $0x6400, $0x38;
	[tilespmem:$0x1C580] =	vst v63  }
0x2b: {  	_ =	swait.ge [sflag:s17], $0x6400  }
0x2c: {  	[sflag:s17] =	ssyncset.done $0x0  }
0x2d: {  	[sflag:s17] =	ssyncadd.s32 $0xFFFF9C00  }
0x2e: {  	[spmem:s7] =	stream.linear.scatter [tilespmem:s16], [sflag:$0x2], $0x6400, $0x38;
	[tilespmem:$0x1C580] =	vst v63  }
0x2f: {  	_ =	swait.ge [sflag:s17], $0x6400  }
0x30: {  	[sflag:s17] =	ssyncset.done $0x0  }
0x31: {  	s23 =	simm.s32 @!p0 $0x2900;
	[sflag:s17] =	ssyncadd.s32 $0xFFFF9C00  }
0x32: {  	[spmem:s8] =	stream.linear.scatter @!p0 [tilespmem:s23], [sflag:$0x2], $0x6400, $0x38;
	[tilespmem:$0x1C580] =	vst v63  }
0x33: {  	s23 =	simm.s32 @!p0 $0x2  }
0x34: {  	_ =	swait.ge @!p0 [sflag:s23], $0x6400  }
0x35: {  	[sflag:s23] =	ssyncset.done @!p0 $0x0  }
0x36: {  	[sflag:s23] =	ssyncadd.s32 @!p0 $0xFFFF9C00  }
0x37: {  	s30 =	sadd.s32 $0x0, s15;
	[bflag:$0x0] =	sbarrier.arrive $0xFFFF  }
0x38: {  	[tilespmem:s3], [sflag:$0x2] =	stream.linear.gather [hbm4b:s30+s3], $0x50, $0x38;
	[tilespmem:$0x1C580] =	vst v63  }
0x39: {  	_ =	swait.ge [sflag:s17], $0x50  }
0x3a: {  	[sflag:s17] =	ssyncset.done $0x0  }
0x3b: {  	s31 =	sadd.s32 $0x0, s14;
	[sflag:s17] =	ssyncadd.s32 $0xFFFFFFB0  }
0x3c: {  	[tilespmem:s18], [sflag:$0x2] =	stream.linear.gather [hbm4b:s31+s3], $0x50, $0x38;
	[tilespmem:$0x1C580] =	vst v63  }
0x3d: {  	_ =	swait.ge [sflag:s17], $0x50  }
0x3e: {  	[sflag:s17] =	ssyncset.done $0x0  }
0x3f: {  	[sflag:s17] =	ssyncadd.s32 $0xFFFFFFB0  }
0x40: {  	[tilespmem:s20], [sflag:$0x1] =	stream.indirect.gather [hbm4b:s4+s19], $0x80, s3, s19, $0xb8;
	[tilespmem:$0x1C580] =	vst v63  }
0x41: {  	_ =	swait.ge [sflag:s21], $0x2800  }
0x42: {  	[sflag:s21] =	ssyncset.done $0x0  }
0x43: {  	[sflag:s21] =	ssyncadd.s32 $0xFFFFD800  }
0x44: {  	[spmem:s2] =	stream.indirect.scatter.add.f32 [tilespmem:s20], [sflag:$0x2], $0x80, s18, s19, $0xb8;
	[tilespmem:$0x1C580] =	vst v63  }
0x45: {  	_ =	swait.ge [sflag:s17], $0x2800  }
0x46: {  	s24 =	simm.s32 $0x14;
	s23 =	simm.s32 $0xA;
	[sflag:s17] =	ssyncset.done $0x0  }
.LBB2_4:
0x47: {  	s25 =	sadd.s32 s23, s15  }
0x48: {  	[sflag:s17] =	ssyncadd.s32 $0xFFFFD800;
	s26 =	smov.u32 s24;
	s28 =	sadd.s32 $0xA, s24  }
0x49: {  	[tilespmem:s3], [sflag:$0x2] =	stream.linear.gather [hbm4b:s25+s3], $0x50, $0x38;
	[tilespmem:$0x1C580] =	vst v63  }
0x4a: {  	p1 =	sne.s32 s24, $0x4D8;
	_ =	swait.ge [sflag:s17], $0x50  }
0x4b: {  	[sflag:s17] =	ssyncset.done $0x0  }
0x4c: {  	s24 =	sadd.s32 s23, s14;
	s23 =	smov.u32 s26;
	[sflag:s17] =	ssyncadd.s32 $0xFFFFFFB0  }
0x4d: {  	[tilespmem:s18], [sflag:$0x2] =	stream.linear.gather [hbm4b:s24+s3], $0x50, $0x38;
	[tilespmem:$0x1C580] =	vst v63  }
0x4e: {  	_ =	swait.ge [sflag:s17], $0x50  }
0x4f: {  	[sflag:s17] =	ssyncset.done $0x0  }
0x50: {  	[sflag:s17] =	ssyncadd.s32 $0xFFFFFFB0  }
0x51: {  	[tilespmem:s20], [sflag:$0x1] =	stream.indirect.gather [hbm4b:s4+s19], $0x80, s3, s19, $0xb8;
	[tilespmem:$0x1C580] =	vst v63  }
0x52: {  	_ =	swait.ge [sflag:s21], $0x2800  }
.Ltmp1:
0x53: {  	[sflag:s21] =	ssyncset.done $0x0;
	(pc) =	sbr.rel @p1 .LBB2_4-.Ltmp1, $4  }
0x54: {  	[sflag:s21] =	ssyncadd.s32 $0xFFFFD800  }
0x55: {  	[spmem:s2] =	stream.indirect.scatter.add.f32 [tilespmem:s20], [sflag:$0x2], $0x80, s18, s19, $0xb8;
	[tilespmem:$0x1C580] =	vst v63  }
0x56: {  	_ =	swait.ge [sflag:s17], $0x2800  }
0x57: {  	s24 =	smov.u32 s28;
	[sflag:s17] =	ssyncset.done $0x0  }
0x58: {  	s24 =	sadd.s32 s23, s15;
	[sflag:s17] =	ssyncadd.s32 $0xFFFFD800  }
0x59: {  	[tilespmem:s3], [sflag:$0x2] =	stream.linear.gather [hbm4b:s24+s3], $0x50, $0x38;
	[tilespmem:$0x1C580] =	vst v63  }
0x5a: {  	_ =	swait.ge [sflag:s17], $0x50  }
0x5b: {  	[sflag:s17] =	ssyncset.done $0x0  }
0x5c: {  	s31 =	sadd.s32 s23, s14;
	[sflag:s17] =	ssyncadd.s32 $0xFFFFFFB0  }
0x5d: {  	[tilespmem:s18], [sflag:$0x2] =	stream.linear.gather [hbm4b:s31+s3], $0x50, $0x38;
	[tilespmem:$0x1C580] =	vst v63  }
0x5e: {  	_ =	swait.ge [sflag:s17], $0x50  }
0x5f: {  	[sflag:s17] =	ssyncset.done $0x0  }
0x60: {  	[sflag:s17] =	ssyncadd.s32 $0xFFFFFFB0  }
0x61: {  	[tilespmem:s20], [sflag:$0x1] =	stream.indirect.gather [hbm4b:s4+s19], $0x80, s3, s19, $0xb8;
	[tilespmem:$0x1C580] =	vst v63  }
0x62: {  	_ =	swait.ge [sflag:s21], $0x2800  }
0x63: {  	[sflag:s21] =	ssyncset.done $0x0  }
0x64: {  	[sflag:s21] =	ssyncadd.s32 $0xFFFFD800  }
0x65: {  	[spmem:s2] =	stream.indirect.scatter.add.f32 [tilespmem:s20], [sflag:$0x2], $0x80, s18, s19, $0xb8;
	[tilespmem:$0x1C580] =	vst v63  }
0x66: {  	_ =	swait.ge [sflag:s17], $0x2800  }
0x67: {  	[sflag:s17] =	ssyncset.done $0x0  }
0x68: {  	[sflag:s17] =	ssyncadd.s32 $0xFFFFD800  }
0x69: {  	[bflag:$0x0] =	sbarrier.arrive $0xFFFF  }
0x6a: {  	[tilespmem:s16], [sflag:$0x2] =	stream.linear.gather [spmem:s5], $0x6400, $0x38;
	[tilespmem:$0x1C580] =	vst v63  }
0x6b: {  	_ =	swait.ge [sflag:s17], $0x6400  }
0x6c: {  	[sflag:s17] =	ssyncset.done $0x0  }
0x6d: {  	[sflag:s17] =	ssyncadd.s32 $0xFFFF9C00  }
0x6e: {  	[hbm4b:s10+s3] =	stream.linear.scatter [tilespmem:s16], [sflag:$0x2], $0x6400, $0x38;
	[tilespmem:$0x1C580] =	vst v63  }
0x6f: {  	_ =	swait.ge [sflag:s17], $0x6400  }
0x70: {  	[sflag:s17] =	ssyncset.done $0x0  }
0x71: {  	[sflag:s17] =	ssyncadd.s32 $0xFFFF9C00  }
0x72: {  	[tilespmem:s16], [sflag:$0x2] =	stream.linear.gather [spmem:s6], $0x6400, $0x38;
	[tilespmem:$0x1C580] =	vst v63  }
0x73: {  	_ =	swait.ge [sflag:s17], $0x6400  }
0x74: {  	[sflag:s17] =	ssyncset.done $0x0  }
0x75: {  	[sflag:s17] =	ssyncadd.s32 $0xFFFF9C00  }
0x76: {  	[hbm4b:s11+s3] =	stream.linear.scatter [tilespmem:s16], [sflag:$0x2], $0x6400, $0x38;
	[tilespmem:$0x1C580] =	vst v63  }
0x77: {  	_ =	swait.ge [sflag:s17], $0x6400  }
0x78: {  	[sflag:s17] =	ssyncset.done $0x0  }
0x79: {  	[sflag:s17] =	ssyncadd.s32 $0xFFFF9C00  }
0x7a: {  	[tilespmem:s16], [sflag:$0x2] =	stream.linear.gather [spmem:s7], $0x6400, $0x38;
	[tilespmem:$0x1C580] =	vst v63  }
0x7b: {  	_ =	swait.ge [sflag:s17], $0x6400  }
0x7c: {  	[sflag:s17] =	ssyncset.done $0x0  }
0x7d: {  	[sflag:s17] =	ssyncadd.s32 $0xFFFF9C00  }
0x7e: {  	[hbm4b:s12+s3] =	stream.linear.scatter [tilespmem:s16], [sflag:$0x2], $0x6400, $0x38;
	[tilespmem:$0x1C580] =	vst v63  }
0x7f: {  	_ =	swait.ge [sflag:s17], $0x6400  }
0x80: {  	[sflag:s17] =	ssyncset.done $0x0  }
0x81: {  	s23 =	simm.s32 @!p0 $0x2900;
	s24 =	simm.s32 @!p0 $0x2;
	[sflag:s17] =	ssyncadd.s32 $0xFFFF9C00  }
0x82: {  	[tilespmem:s23], [sflag:$0x2] =	stream.linear.gather @!p0 [spmem:s8], $0x6400, $0x38;
	[tilespmem:$0x1C580] =	vst v63  }
0x83: {  	s22 =	sadd.s32 $0x1, s22;
	_ =	swait.ge @!p0 [sflag:s24], $0x6400  }
0x84: {  	p1 =	sne.s32 s22, s9;
	[sflag:s24] =	ssyncset.done @!p0 $0x0  }
.Ltmp2:
0x85: {  	s25 =	simm.s32 @!p0 $0x0;
	[sflag:s24] =	ssyncadd.s32 @!p0 $0xFFFF9C00;
	(pc) =	sbr.rel @p1 .LBB2_1-.Ltmp2, $4  }
0x86: {  	[hbm4b:s13+s25] =	stream.linear.scatter @!p0 [tilespmem:s23], [sflag:$0x2], $0x6400, $0x38;
	[tilespmem:$0x1C580] =	vst v63  }
0x87: {  	_ =	swait.ge @!p0 [sflag:s24], $0x6400  }
0x88: {  	[sflag:s24] =	ssyncset.done @!p0 $0x0  }
0x89: {  	[sflag:s24] =	ssyncadd.s32 @!p0 $0xFFFF9C00  }
0x8a: {  	_ =	sfence.sel $0x180000  }
0x8b: {  	[bflag:$0x0] =	sbarrier.arrive $0xFFFF  }
0x8c: {  	p0 =	sne.s32 s0, $0x0;
	_ =	strace $0x9000004D  }
0x8d: {  	s0 =	sadd.s32 @!p0 $0x100000, s1;
	[bflag:$0x2] =	sbarrier.arrive $0xFFFF  }
0x8e: {  	[sflag:s0] =	ssyncadd.tile.s32 @!p0 $0x1;
	_ =	shalt  }
.Lfunc_end2:
_tile_overlayer_lowered:
.L_overlay_start_2:
0x8f: {  	(tag) =	ssettag $0x2  }
0x90: {  	s0 =	rddreg [dreg:$0x0];
	s2 =	stileid.u32  }
0x91: {  	s1 =	rddreg [dreg:$0x1];
	p0 =	sne.s32 s2, $0x0  }
0x92: {  	s3 =	rddreg [dreg:$0x2];
	[bflag:$0x3] =	sbarrier.arrive $0xFFFF;
	s2 =	simm.s32 @!p0 $0x1C02  }
0x93: {  	[timem:s3], [sflag:s2] =	dma.local @!p0 [hbm:s0], s1  }
0x94: {  	s0 =	simm.s32 @!p0 $0x2  }
0x95: {  	_ =	swait.ge @!p0 [sflag:s0], s1  }
0x96: {  	s1 =	ssub.s32 @!p0 $0x0, s1;
	[sflag:s0] =	ssyncset.done @!p0 $0x0  }
0x97: {  	[sflag:s0] =	ssyncadd.s32 @!p0 s1  }
0x98: {  	[bflag:$0x3] =	sbarrier.arrive $0xFFFF  }
0x99: {  	_ =	shalt  }

// kernel: kernel.8.cloned.1.call-start
scs
__scs_entry_jumppad:
0x0: {  	(pc) =	sbr.rel $0x88, $3  }
0x1: {  	(tag) =	ssettag $0x0;
	lr =	simm.s32 $0x1  }
0x2: {  	[smem:$0x3F98] =	sst lr;
	_ =	strace $0xD0000000  }
0x3: {  	_ = 	snop  }
0x4: {  	_ = 	snop  }
0x5: {  	_ = 	snop  }
0x6: {  	_ = 	snop  }
0x7: {  	_ = 	snop  }
__scs_overlays_trampoline_lowered:
0x8: {  	[smem:$0x3FA7] =	sst s0  }
0x9: {  	[smem:$0x3FA8] =	sst s1  }
0xa: {  	[smem:$0x3FA9] =	sst s2  }
0xb: {  	[smem:$0x3FAA] =	sst s3  }
0xc: {  	[smem:$0x3FAB] =	sst s4  }
0xd: {  	[smem:$0x3FAC] =	sst s5  }
0xe: {  	[smem:$0x3FAD] =	sst s6  }
0xf: {  	[smem:$0x3FAE] =	sst s7  }
0x10: {  	[smem:$0x3FAF] =	sst s8  }
0x11: {  	[smem:$0x3FB0] =	sst s9;
	s0 =	simm.s32 @!p0 $0x0  }
0x12: {  	s1 =	sld [smem:$0x3F96];
	s0 =	simm.s32 @p0 $0x1  }
0x13: {  	[smem:$0x3FB1] =	sst s0;
	s0 =	simm.s32 @!p1 $0x0  }
0x14: {  	s2 =	sld [smem:$0x3F95];
	s0 =	simm.s32 @p1 $0x1  }
0x15: {  	[smem:$0x3FB2] =	sst s0;
	s0 =	simm.s32 @!p2 $0x0  }
0x16: {  	s3 =	sld [smem:$0x3FDB];
	s0 =	simm.s32 @p2 $0x1  }
0x17: {  	s4 =	simm.s32 $0x1BF5;
	[smem:$0x3FB4] =	sst s0  }
0x18: {  	s0 =	sld [smem:$0x3F97];
	_ =	swait.ge [sflag:s4], $0x0  }
0x19: {  	s7 =	sld [smem:$0x3F98]  }
0x1a: {  	s8 =	sadd.s32 $0xFFFFE003, lr  }
0x1b: {  	s9 =	sadd.s32 $0xFFFFFEF7, lr;
	s5 =	simm.s32 $0xFFFFFFFF;
	p2 =	slt.u32 s8, $0xFFFFF086  }
0x1c: {  	p1 =	slt.u32 s9, $0xF7A;
	s5 =	simm.s32 @!p2 $0x0  }
0x1d: {  	s5 =	simm.s32 @p1 $0x1;
	p0 =	seq.s32 s7, s2  }
0x1e: {  	s7 =	smul.u32 @!p0 $0xF7A, s2;
	p2 =	seq.s32 @!p0 s5, $0x0  }
0x1f: {  	s9 =	smul.u32 $0xF7A, s1;
	s8 =	simm.s32 @!p0 $0x1BF5;
	p2 =	por !p2, p0  }
0x20: {  	[sflag:s8] =	ssyncset.s32 @!p0 $0xFFFFF086;
	s6 =	sadd.s32 @!p0 s3, s7;
	s7 =	simm.s32 @!p0 $0x108  }
0x21: {  	s3 =	sadd.s32 s3, s9;
	s6 =	sadd.s32 @!p0 $0x88, s6;
	s7 =	simm.s32 @p2 $0x1082  }
0x22: {  	[simem:s7], [sflag:s8] =	dma.local @!p0 [hbm:s6], $0xF7A  }
0x23: {  	s9 =	sor.u32 $0xD0000000, s2;
	s6 =	simm.s32 $0x108;
	_ =	swait.ge @!p0 [sflag:s8], $0x0  }
0x24: {  	s3 =	sadd.s32 $0x88, s3;
	s6 =	simm.s32 @!p1 $0x1082;
	[sflag:s4] =	ssyncset.s32 $0xFFFFF086  }
0x25: {  	[simem:s6], [sflag:s4] =	dma.local [hbm:s3], $0xF7A  }
0x26: {  	[smem:$0x3F98] =	sst s1;
	(tag) =	ssettag s2;
	_ =	strace s9  }
0x27: {  	s1 =	sld [smem:$0x3FA8]  }
0x28: {  	s2 =	sld [smem:$0x3FA9]  }
0x29: {  	s4 =	sld [smem:$0x3FAB]  }
0x2a: {  	p0 =	seq.s32 s5, $0x0;
	s5 =	sld [smem:$0x3FAC]  }
0x2b: {  	s6 =	sld [smem:$0x3FAD]  }
0x2c: {  	s7 =	sld [smem:$0x3FAE]  }
0x2d: {  	s3 =	simm.s32 $0x108;
	s8 =	sld [smem:$0x3FAF]  }
0x2e: {  	s3 =	simm.s32 @!p0 $0x1082;
	s9 =	sld [smem:$0x3FB0]  }
0x2f: {  	lr =	sadd.s32 s0, s3;
	s0 =	sld [smem:$0x3FA7]  }
0x30: {  	s3 =	sld [smem:$0x3FAA]  }
0x31: {  	[smem:$0x3FB3] =	sst s10  }
0x32: {  	s10 =	sld [smem:$0x3FB1];
	_ =	sdelay $0x3  }
0x33: {  	p0 =	seq.s32 s10, $0x1;
	s10 =	sld [smem:$0x3FB3];
	_ =	sdelay $0x3  }
0x34: {  	[smem:$0x3FB3] =	sst s10  }
0x35: {  	s10 =	sld [smem:$0x3FB2];
	_ =	sdelay $0x3  }
0x36: {  	p1 =	seq.s32 s10, $0x1;
	s10 =	sld [smem:$0x3FB3];
	_ =	sdelay $0x3  }
0x37: {  	[smem:$0x3FB3] =	sst s10  }
0x38: {  	s10 =	sld [smem:$0x3FB4]  }
0x39: {  	_ = 	snop;
	(pc) =	sbr.ind lr, $3  }
0x3a: {  	_ = 	snop  }
0x3b: {  	_ = 	snop  }
0x3c: {  	p2 =	seq.s32 s10, $0x1;
	s10 =	sld [smem:$0x3FB3]  }
0x3d: {  	_ =	shalt  }
0x3e: {  	_ =	shalt  }
0x3f: {  	_ =	shalt  }
0x40: {  	_ =	shalt  }
0x41: {  	_ =	shalt  }
0x42: {  	_ =	shalt  }
0x43: {  	_ =	shalt  }
0x44: {  	_ =	shalt  }
0x45: {  	_ =	shalt  }
0x46: {  	_ =	shalt  }
0x47: {  	_ =	shalt  }
0x48: {  	_ =	shalt  }
0x49: {  	_ =	shalt  }
0x4a: {  	_ =	shalt  }
0x4b: {  	_ =	shalt  }
0x4c: {  	_ =	shalt  }
0x4d: {  	_ =	shalt  }
0x4e: {  	_ =	shalt  }
0x4f: {  	_ =	shalt  }
0x50: {  	_ =	shalt  }
0x51: {  	_ =	shalt  }
0x52: {  	_ =	shalt  }
0x53: {  	_ =	shalt  }
0x54: {  	_ =	shalt  }
0x55: {  	_ =	shalt  }
0x56: {  	_ =	shalt  }
0x57: {  	_ =	shalt  }
0x58: {  	_ =	shalt  }
0x59: {  	_ =	shalt  }
0x5a: {  	_ =	shalt  }
0x5b: {  	_ =	shalt  }
0x5c: {  	_ =	shalt  }
0x5d: {  	_ =	shalt  }
0x5e: {  	_ =	shalt  }
0x5f: {  	_ =	shalt  }
0x60: {  	_ =	shalt  }
0x61: {  	_ =	shalt  }
0x62: {  	_ =	shalt  }
0x63: {  	_ =	shalt  }
0x64: {  	_ =	shalt  }
0x65: {  	_ =	shalt  }
0x66: {  	_ =	shalt  }
0x67: {  	_ =	shalt  }
0x68: {  	_ =	shalt  }
0x69: {  	_ =	shalt  }
0x6a: {  	_ =	shalt  }
0x6b: {  	_ =	shalt  }
0x6c: {  	_ =	shalt  }
0x6d: {  	_ =	shalt  }
0x6e: {  	_ =	shalt  }
0x6f: {  	_ =	shalt  }
0x70: {  	_ =	shalt  }
0x71: {  	_ =	shalt  }
0x72: {  	_ =	shalt  }
0x73: {  	_ =	shalt  }
0x74: {  	_ =	shalt  }
0x75: {  	_ =	shalt  }
0x76: {  	_ =	shalt  }
0x77: {  	_ =	shalt  }
0x78: {  	_ =	shalt  }
0x79: {  	_ =	shalt  }
0x7a: {  	_ =	shalt  }
0x7b: {  	_ =	shalt  }
0x7c: {  	_ =	shalt  }
0x7d: {  	_ =	shalt  }
0x7e: {  	_ =	shalt  }
0x7f: {  	_ =	shalt  }
0x80: {  	_ =	shalt  }
0x81: {  	_ =	shalt  }
0x82: {  	_ =	shalt  }
0x83: {  	_ =	shalt  }
0x84: {  	_ =	shalt  }
0x85: {  	_ =	shalt  }
0x86: {  	_ =	shalt  }
0x87: {  	_ =	shalt  }
.Lfunc_end0:
.L_simem_size_0:
called_computation_lowered:
.L_overlay_start_0:
0x88: {  	s2 =	sld [smem:$0x3FD9]  }
0x89: {  	s3 =	sld [smem:$0x3FFE];
	_ =	sdelay $0x1  }
0x8a: {  	s1 =	srdreg.scid  }
0x8b: {  	s0 =	sand.u32 $0x1, s1  }
0x8c: {  	s16 =	sshll.u32 s0, $0xA;
	s2 =	sadd.s32 s3, s2  }
0x8d: {  	s2 =	sadd.s32 s2, s16  }
0x8e: {  	[smem:$0x3FBF] =	sst s2  }
0x8f: {  	_ = 	snop  }
0x90: {  	(tm) =	ssettm $0x1  }
0x91: {  	s17 =	sld [smem:$0x3FFB];
	_ =	sdelay $0x3  }
0x92: {  	_ =	strace s17  }
0x93: {  	s2 =	sld [smem:$0x3FFC];
	_ =	sdelay $0x3  }
0x94: {  	_ =	strace s2  }
0x95: {  	s2 =	sld [smem:$0x3FFD];
	_ =	sdelay $0x3  }
0x96: {  	_ =	strace s2  }
0x97: {  	_ =	strace $0x8FFFFFFF  }
0x98: {  	s18 =	sld [smem:$0x3FDB];
	_ =	sdelay $0x1  }
0x99: {  	s19 =	simm.s32 $_scs_section_size  }
0x9a: {  	s4 =	simm.s32 $_size__tile_overlayer_lowered;
	s5 =	simm.s32 $_tile_overlayer_lowered  }
0x9b: {  	s22 =	simm.s32 $0x1BFF;
	s21 =	sshll.u32 s5, $0x1;
	s2 =	sadd.s32 s19, s18  }
0x9c: {  	s6 =	simm.s32 $0x0;
	s20 =	sshll.u32 s4, $0x1;
	s4 =	sadd.s32 s21, s2  }
0x9d: {  	[timem:s6], [sflag:s22] =	dma.local [hbm:s4], s20  }
0x9e: {  	_ =	swait.ge [sflag:s22], s20  }
0x9f: {  	s3 =	ssub.s32 $0x0, s20;
	[sflag:s22] =	ssyncset.done $0x0  }
0xa0: {  	[sflag:s22] =	ssyncadd.s32 s3;
	_ =	sdelay $0x1  }
0xa1: {  	s23 =	simm.s32 $0x1B8B  }
0xa2: {  	_ =	swait.ge [sflag:s23], $0x1  }
0xa3: {  	[sflag:s23] =	ssyncset.done $0x0  }
0xa4: {  	s25 =	simm.s32 $0x1B8E;
	s24 =	sld [smem:$0x3FFE];
	[sflag:s23] =	ssyncadd.s32 $0xFFFFFFFF  }
0xa5: {  	s26 =	simm.s32 $execute0_lowered;
	[smem:$0x3FD2] =	sst s25  }
0xa6: {  	s4 =	sshll.u32 s26, $0x1;
	_ =	strace $0x80000046;
	[dreg:$0x1] =	wrdreg $0xFFFFFFFF  }
0xa7: {  	s28 =	simm.s32 $_size_execute0_lowered;
	s2 =	sadd.s32 s2, s4;
	[dreg:$0x0] =	wrdreg $0x0  }
0xa8: {  	s4 =	sshll.u32 s28, $0x1;
	[dreg:$0x2] =	wrdreg s2  }
0xa9: {  	[dreg:$0x3] =	wrdreg s4  }
0xaa: {  	[dreg:$0x4] =	wrdreg $0xC0  }
0xab: {  	_ =	task [dreg:s6], $0x5FFFF  }
0xac: {  	[dreg:$0x1] =	wrdreg $0xFFFFFFFF  }
0xad: {  	[dreg:$0x0] =	wrdreg $0x60  }
0xae: {  	[dreg:$0x2] =	wrdreg s24  }
0xaf: {  	[dreg:$0x3] =	wrdreg $0x9000  }
0xb0: {  	[dreg:$0x4] =	wrdreg $0x9  }
0xb1: {  	_ =	task.clear_ibuf [dreg:s6], $0x5FFFF;
	_ =	strace $0x90000046  }
0xb2: {  	s29 =	simm.s32 $0x9;
	_ =	strace $0x80000048  }
0xb3: {  	_ =	swait.ge [sflag:s29], $0x1  }
0xb4: {  	[sflag:s29] =	ssyncadd.s32 $0xFFFFFFFF  }
0xb5: {  	_ =	strace $0x90000048  }
0xb6: {  	_ =	sfence  }
0xb7: {  	s30 =	sld [smem:$0x0];
	_ =	sdelay $0x2  }
0xb8: {  	s31 =	sshll.u32 s1, $0xD;
	s1 =	sshrl.u32 s1, $0x2  }
0xb9: {  	s3 =	sand.u32 $0x4000, s31;
	s1 =	sadd.s32 s1, s30  }
0xba: {  	s0 =	sor.u32 s3, s0;
	s1 =	sshll.u32 s1, $0x11  }
0xbb: {  	s0 =	sor.u32 s1, s0  }
0xbc: {  	s0 =	sadd.s32 $0x8F2B, s0  }
0xbd: {  	[sflag:s0] =	ssyncadd.remote.s32 $0x1  }
0xbe: {  	_ =	sfence.sel $0xFFFF  }
0xbf: {  	[dreg:$0x0] =	wrdreg $0xFFFFFFFF;
	(pc) =	sbr.abs _section_cstart, $3  }
0xc0: {  	[dreg:$0x1] =	wrdreg $0xFFFFFFFF  }
0xc1: {  	_ =	task.clear_ibuf [dreg:s6], $0x2FFFF;
	_ =	strace $0x9FFFFFFF  }
0xc2: {  	(tm) =	ssettm $0x7FFFFFFF  }
0xc3: {  	_ =	shalt  }
tec
execute0_lowered:
.L_overlay_start_1:
0x0: {  	(tag) =	ssettag $0x1  }
0x1: {  	s5 =	rddreg [dreg:$0x0]  }
0x2: {  	s0 =	srdreg.scid;
	s2 =	rddreg [dreg:$0x1]  }
0x3: {  	s1 =	rddreg [dreg:$0x2];
	s4 =	sand.u32 $0x1, s0  }
0x4: {  	s3 =	simm.s32 $0x0;
	s0 =	stileid.u32;
	s6 =	smul.u32 $0x27100, s4  }
0x5: {  	s11 =	simm.s32 $0x18600;
	[smem:$0x7FF] =	sst s3;
	s7 =	smul.u32 $0x2710, s0  }
0x6: {  	s12 =	simm.s32 $0x0;
	_ =	strace $0x80000047;
	s9 =	smul.u32 $0x1F40, s0  }
0x7: {  	s26 =	ssub.s32 $0x2, s4;
	s10 =	smul.u32 $0x7D0, s0;
	p0 =	seq.s32 s4, $0x1  }
0x8: {  	s28 =	sshrl.u32 s26, $0x1;
	s11 =	simm.s32 @!p0 $0x18000;
	p0 =	sgt.u32 s0, $0x4  }
0x9: {  	s6 =	sadd.s32 s7, s6;
	s29 =	sshrl.u32 s9, $0x2;
	s30 =	sshrl.u32 s10, $0x3  }
0xa: {  	s31 =	sadd.s32 s11, s5;
	s9 =	simm.s32 $0x1;
	s11 =	simm.s32 $0x80  }
0xb: {  	s6 =	sshrl.u32 s6, $0x3;
	s4 =	sadd.s32 s29, s2;
	s7 =	sadd.s32 s31, s30  }
0xc: {  	s8 =	sadd.s32 s6, s5;
	s6 =	ssub.s32 s26, s28;
	s5 =	sadd.s32 s10, s2  }
0xd: {  	v0 =	vimm.f32 $0.0e+00;
	v1 =	vimm.f32 $1.000000000e+00;
	s10 =	simm.s32 $0x50;
	s6 =	smax.u32 s6, $0x1;
	s8 =	sadd.s32 $0xE200, s8  }
.LBB2_1:
0xe: {  	s13 =	simm.s32 $0x40;
	s14 =	simm.s32 $0x0  }
.LBB2_2:
0xf: {  	p1 =	sne.s32 s13, $0x1F00;
	[tilespmem:s14+$0x100] =	vst v0;
	s14 =	smov.u32 s13;
	s13 =	sadd.s32 $0x40, s13  }
.Ltmp0:
0x10: {  	(pc) =	sbr.rel @p1 .LBB2_2-.Ltmp0, $2  }
0x11: {  	_ =	sdelay $0x2  }
0x12: {  	s14 =	sshra.s32 s14, $0x2  }
0x13: {  	[tilespmem:s14+$0x100] =	vst v0;
	s13 =	simm.s32 @!p0 $0x100  }
0x14: {  	[spmem:s4] =	stream.linear.scatter @!p0 [tilespmem:s13], [sflag:$0x1], $0x7D0, $0x38;
	[tilespmem:$0xB78] =	vst v63  }
0x15: {  	s13 =	simm.s32 @!p0 $0x1  }
0x16: {  	_ =	swait.ge @!p0 [sflag:s13], $0x7D0  }
0x17: {  	[sflag:s13] =	ssyncset.done @!p0 $0x0  }
0x18: {  	[sflag:s13] =	ssyncadd.s32 @!p0 $0xFFFFF830  }
0x19: {  	[tilespmem:$0x80] =	vst v1  }
0x1a: {  	[tilespmem:$0x90] =	vst v1  }
0x1b: {  	[tilespmem:$0xA0] =	vst v1  }
0x1c: {  	[tilespmem:$0xB0] =	vst v1  }
0x1d: {  	[tilespmem:$0xC0] =	vst v1  }
0x1e: {  	s31 =	sadd.s32 $0x0, s8;
	[bflag:$0x0] =	sbarrier.arrive $0xFFFF  }
0x1f: {  	[tilespmem:s3], [sflag:$0x1] =	stream.linear.gather [hbm4b:s31+s3], $0x50, $0x38;
	[tilespmem:$0xB78] =	vst v63  }
0x20: {  	_ =	swait.ge [sflag:s9], $0x50  }
0x21: {  	[sflag:s9] =	ssyncset.done $0x0  }
0x22: {  	[sflag:s9] =	ssyncadd.s32 $0xFFFFFFB0  }
0x23: {  	[spmem:s2] =	stream.indirect.scatter.add.f32 [tilespmem:s11], [sflag:$0x1], $0x1, s3, s10, $0xb8;
	[tilespmem:$0xB78] =	vst v63  }
0x24: {  	_ =	swait.ge [sflag:s9], $0x50  }
0x25: {  	s14 =	simm.s32 $0x14;
	s13 =	simm.s32 $0xA;
	[sflag:s9] =	ssyncset.done $0x0  }
.LBB2_4:
0x26: {  	s15 =	sadd.s32 s13, s8  }
0x27: {  	[sflag:s9] =	ssyncadd.s32 $0xFFFFFFB0;
	s13 =	smov.u32 s14;
	s16 =	sadd.s32 $0xA, s14  }
0x28: {  	[tilespmem:s3], [sflag:$0x1] =	stream.linear.gather [hbm4b:s15+s3], $0x50, $0x38;
	[tilespmem:$0xB78] =	vst v63  }
0x29: {  	p1 =	sne.s32 s14, $0x4D8;
	_ =	swait.ge [sflag:s9], $0x50  }
.Ltmp1:
0x2a: {  	[sflag:s9] =	ssyncset.done $0x0;
	(pc) =	sbr.rel @p1 .LBB2_4-.Ltmp1, $4  }
0x2b: {  	[sflag:s9] =	ssyncadd.s32 $0xFFFFFFB0  }
0x2c: {  	[spmem:s2] =	stream.indirect.scatter.add.f32 [tilespmem:s11], [sflag:$0x1], $0x1, s3, s10, $0xb8;
	[tilespmem:$0xB78] =	vst v63  }
0x2d: {  	_ =	swait.ge [sflag:s9], $0x50  }
0x2e: {  	s14 =	smov.u32 s16;
	[sflag:s9] =	ssyncset.done $0x0  }
0x2f: {  	s13 =	sadd.s32 s13, s8;
	[sflag:s9] =	ssyncadd.s32 $0xFFFFFFB0  }
0x30: {  	[tilespmem:s3], [sflag:$0x1] =	stream.linear.gather [hbm4b:s13+s3], $0x50, $0x38;
	[tilespmem:$0xB78] =	vst v63  }
0x31: {  	_ =	swait.ge [sflag:s9], $0x50  }
0x32: {  	[sflag:s9] =	ssyncset.done $0x0  }
0x33: {  	[sflag:s9] =	ssyncadd.s32 $0xFFFFFFB0  }
0x34: {  	[spmem:s2] =	stream.indirect.scatter.add.f32 [tilespmem:s11], [sflag:$0x1], $0x1, s3, s10, $0xb8;
	[tilespmem:$0xB78] =	vst v63  }
0x35: {  	_ =	swait.ge [sflag:s9], $0x50  }
0x36: {  	[sflag:s9] =	ssyncset.done $0x0  }
0x37: {  	[sflag:s9] =	ssyncadd.s32 $0xFFFFFFB0  }
0x38: {  	s14 =	simm.s32 @!p0 $0x1;
	s13 =	simm.s32 @!p0 $0x100;
	[bflag:$0x0] =	sbarrier.arrive $0xFFFF  }
0x39: {  	[tilespmem:s13], [sflag:$0x1] =	stream.linear.gather @!p0 [spmem:s5], $0x7D0, $0x38;
	[tilespmem:$0xB78] =	vst v63  }
0x3a: {  	s12 =	sadd.s32 $0x1, s12;
	_ =	swait.ge @!p0 [sflag:s14], $0x7D0  }
0x3b: {  	p1 =	sne.s32 s12, s6;
	[sflag:s14] =	ssyncset.done @!p0 $0x0  }
.Ltmp2:
0x3c: {  	s15 =	simm.s32 @!p0 $0x0;
	[sflag:s14] =	ssyncadd.s32 @!p0 $0xFFFFF830;
	(pc) =	sbr.rel @p1 .LBB2_1-.Ltmp2, $4  }
0x3d: {  	[hbm4b:s7+s15] =	stream.linear.scatter @!p0 [tilespmem:s13], [sflag:$0x1], $0x7D0, $0x38;
	[tilespmem:$0xB78] =	vst v63  }
0x3e: {  	_ =	swait.ge @!p0 [sflag:s14], $0x7D0  }
0x3f: {  	[sflag:s14] =	ssyncset.done @!p0 $0x0  }
0x40: {  	[sflag:s14] =	ssyncadd.s32 @!p0 $0xFFFFF830  }
0x41: {  	_ =	sfence.sel $0x180000  }
0x42: {  	[bflag:$0x0] =	sbarrier.arrive $0xFFFF  }
0x43: {  	p0 =	sne.s32 s0, $0x0;
	_ =	strace $0x90000047  }
0x44: {  	s0 =	sadd.s32 @!p0 $0x100000, s1;
	[bflag:$0x2] =	sbarrier.arrive $0xFFFF  }
0x45: {  	[sflag:s0] =	ssyncadd.tile.s32 @!p0 $0x1;
	_ =	shalt  }
.Lfunc_end2:
_tile_overlayer_lowered:
.L_overlay_start_2:
0x46: {  	(tag) =	ssettag $0x2  }
0x47: {  	s0 =	rddreg [dreg:$0x0];
	s2 =	stileid.u32  }
0x48: {  	s1 =	rddreg [dreg:$0x1];
	p0 =	sne.s32 s2, $0x0  }
0x49: {  	s3 =	rddreg [dreg:$0x2];
	[bflag:$0x3] =	sbarrier.arrive $0xFFFF;
	s2 =	simm.s32 @!p0 $0x1C01  }
0x4a: {  	[timem:s3], [sflag:s2] =	dma.local @!p0 [hbm:s0], s1  }
0x4b: {  	s0 =	simm.s32 @!p0 $0x1  }
0x4c: {  	_ =	swait.ge @!p0 [sflag:s0], s1  }
0x4d: {  	s1 =	ssub.s32 @!p0 $0x0, s1;
	[sflag:s0] =	ssyncset.done @!p0 $0x0  }
0x4e: {  	[sflag:s0] =	ssyncadd.s32 @!p0 s1  }
0x4f: {  	[bflag:$0x3] =	sbarrier.arrive $0xFFFF  }
0x50: {  	_ =	shalt  }

</sc_bundles>
